<compile_context>
chip_gen: v7x
topology: tpu7x:2x2x1
jax: 0.10.2.dev20260603
libtpu: 0.0.44.dev20260713+nightly
codegen_flags: <defaults>
</compile_context>

<pallas_src>
import functools

import jax
import jax.numpy as jnp
from jax import lax
from jax.experimental import pallas as pl
from jax.experimental.pallas import tpu as pltpu
from jax.experimental.pallas import tpu_sc as plsc

N = 10000
E = 160000
D_IN = 256
H1 = 256
NCLS = 64

NP = 10240
EP = 163840
NC, NS, L = 2, 16, 16
HALF = 128
STEP = 64

_mesh = plsc.VectorSubcoreMesh(
    core_axis_name="c", subcore_axis_name="s", num_cores=NC, num_subcores=NS
)

ROWS_A = NP // NS
EDG_A = EP // (NC * NS)
EDG_C = EP // NS
RW = NP // NS


@functools.partial(
    pl.kernel,
    out_type=(
        jax.ShapeDtypeStruct((NP,), jnp.float32),
        jax.ShapeDtypeStruct((NP,), jnp.float32),
        jax.ShapeDtypeStruct((NP,), jnp.float32),
        jax.ShapeDtypeStruct((NP,), jnp.float32),
    ),
    mesh=_mesh,
    scratch_types=[
        pltpu.VMEM((EDG_A // STEP, STEP), jnp.int32),
        pltpu.VMEM((EDG_A // STEP, STEP), jnp.int32),
        pltpu.VMEM((STEP,), jnp.float32),
        pltpu.VMEM((ROWS_A,), jnp.float32),
        pltpu.VMEM_SHARED((NP,), jnp.float32),
        pltpu.VMEM_SHARED((NP,), jnp.float32),
        pltpu.SemaphoreType.DMA,
        pltpu.SemaphoreType.DMA,
    ],
)
def _degree_kernel(src_hbm, dst_hbm, do0, di0, do1, di1, sidx_all, didx_all,
                   ones_v, zbuf, sdeg_o, sdeg_i, sem_o, sem_i):
    c = lax.axis_index("c")
    s = lax.axis_index("s")
    zeros16 = jnp.zeros((L,), jnp.float32)
    ones16 = jnp.ones((L,), jnp.float32)

    def fill(j, _):
        ones_v[pl.ds(j * L, L)] = ones16
        return 0

    lax.fori_loop(0, STEP // L, fill, 0)

    def fill_z(j, _):
        zbuf[pl.ds(j * L, L)] = zeros16
        return 0

    lax.fori_loop(0, ROWS_A // L, fill_z, 0)

    r0 = pl.multiple_of(s * ROWS_A, 8)
    pltpu.sync_copy(zbuf, sdeg_o.at[pl.ds(r0, ROWS_A)])
    pltpu.sync_copy(zbuf, sdeg_i.at[pl.ds(r0, ROWS_A)])

    w = c * NS + s
    g0 = w * (EDG_A // STEP)
    pltpu.sync_copy(src_hbm.at[pl.ds(g0, EDG_A // STEP)], sidx_all)
    pltpu.sync_copy(dst_hbm.at[pl.ds(g0, EDG_A // STEP)], didx_all)
    plsc.subcore_barrier()

    def step(g, _):
        pltpu.async_copy(ones_v, sdeg_o.at[sidx_all.at[g]], sem_o, add=True)
        pltpu.async_copy(ones_v, sdeg_i.at[didx_all.at[g]], sem_i, add=True)
        return 0

    lax.fori_loop(0, EDG_A // STEP, step, 0)

    def drain(g, _):
        pltpu.make_async_copy(ones_v, sdeg_o.at[sidx_all.at[g]], sem_o).wait()
        pltpu.make_async_copy(ones_v, sdeg_i.at[didx_all.at[g]], sem_i).wait()
        return 0

    lax.fori_loop(0, EDG_A // STEP, drain, 0)
    plsc.subcore_barrier()

    @pl.when(c == 0)
    def _():
        pltpu.sync_copy(sdeg_o.at[pl.ds(r0, ROWS_A)], do0.at[pl.ds(r0, ROWS_A)])
        pltpu.sync_copy(sdeg_i.at[pl.ds(r0, ROWS_A)], di0.at[pl.ds(r0, ROWS_A)])

    @pl.when(c == 1)
    def _():
        pltpu.sync_copy(sdeg_o.at[pl.ds(r0, ROWS_A)], do1.at[pl.ds(r0, ROWS_A)])
        pltpu.sync_copy(sdeg_i.at[pl.ds(r0, ROWS_A)], di1.at[pl.ds(r0, ROWS_A)])


@functools.partial(
    pl.kernel,
    out_type=(
        jax.ShapeDtypeStruct((NP, HALF), jnp.float32),
        jax.ShapeDtypeStruct((NP, HALF), jnp.float32),
    ),
    mesh=_mesh,
    scratch_types=[
        pltpu.VMEM((EDG_C,), jnp.int32),
        pltpu.VMEM((EDG_C // STEP, STEP), jnp.int32),
        pltpu.VMEM((STEP, HALF), jnp.float32),
        pltpu.VMEM((STEP, HALF), jnp.float32),
        pltpu.VMEM_SHARED((NP, HALF), jnp.float32),
        pltpu.SemaphoreType.DMA,
        pltpu.SemaphoreType.DMA,
    ],
)
def _agg_kernel(h0, h1, src_hbm, dst_hbm, out0, out1, sidx_all, didx_all,
                rows_a, rows_b, agg_sp, sem_a, sem_b):
    c = lax.axis_index("c")
    s = lax.axis_index("s")
    zeros16 = jnp.zeros((L,), jnp.float32)
    n_steps = EDG_C // STEP

    pltpu.async_copy(src_hbm.at[pl.ds(s * EDG_C, EDG_C)], sidx_all, sem_a)
    pltpu.async_copy(dst_hbm.at[pl.ds(s * (EDG_C // STEP), n_steps)], didx_all, sem_b)

    def zrow(i, _):
        def zcol(j, _):
            rows_a[i, pl.ds(j * L, L)] = zeros16
            return 0

        lax.fori_loop(0, HALF // L, zcol, 0)
        return 0

    lax.fori_loop(0, STEP, zrow, 0)

    r0 = pl.multiple_of(s * RW, 8)

    def zcp(u, _):
        pltpu.sync_copy(rows_a, agg_sp.at[pl.ds(pl.multiple_of(r0 + u * STEP, 8), STEP)])
        return 0

    lax.fori_loop(0, RW // STEP, zcp, 0)
    pltpu.make_async_copy(src_hbm.at[pl.ds(s * EDG_C, EDG_C)], sidx_all, sem_a).wait()
    pltpu.make_async_copy(
        dst_hbm.at[pl.ds(s * (EDG_C // STEP), n_steps)], didx_all, sem_b).wait()

    def edge_loop(h_hbm):
        def sidx(g):
            return sidx_all.at[pl.ds(pl.multiple_of(g * STEP, 8), STEP)]

        pltpu.async_copy(h_hbm.at[sidx(0)], rows_a, sem_a)
        plsc.subcore_barrier()

        def body(t, _):
            ga = 2 * t
            gb = 2 * t + 1
            pltpu.async_copy(h_hbm.at[sidx(gb)], rows_b, sem_b)
            pltpu.make_async_copy(h_hbm.at[sidx(ga)], rows_a, sem_a).wait()
            pltpu.sync_copy(rows_a, agg_sp.at[didx_all.at[ga]], add=True)

            @pl.when(t + 1 < n_steps // 2)
            def _():
                pltpu.async_copy(h_hbm.at[sidx(ga + 2)], rows_a, sem_a)

            pltpu.make_async_copy(h_hbm.at[sidx(gb)], rows_b, sem_b).wait()
            pltpu.sync_copy(rows_b, agg_sp.at[didx_all.at[gb]], add=True)
            return 0

        lax.fori_loop(0, n_steps // 2, body, 0)

    @pl.when(c == 0)
    def _():
        edge_loop(h0)

    @pl.when(c == 1)
    def _():
        edge_loop(h1)

    plsc.subcore_barrier()

    def wout(u, _):
        r = pl.multiple_of(r0 + u * STEP, 8)

        @pl.when(c == 0)
        def _():
            pltpu.sync_copy(agg_sp.at[pl.ds(r, STEP)], out0.at[pl.ds(r, STEP)])

        @pl.when(c == 1)
        def _():
            pltpu.sync_copy(agg_sp.at[pl.ds(r, STEP)], out1.at[pl.ds(r, STEP)])

        return 0

    lax.fori_loop(0, RW // STEP, wout, 0)


RB = 1280


def _prescale_body(x_ref, do0_ref, do1_ref, h0_ref, h1_ref):
    dout = do0_ref[...] + do1_ref[...]
    ns = lax.rsqrt(jnp.maximum(dout, 1.0))
    h = x_ref[...] * ns
    h0_ref[...] = h[:, :HALF]
    h1_ref[...] = h[:, HALF:]


_prescale = pl.pallas_call(
    _prescale_body,
    grid=(NP // RB,),
    in_specs=[
        pl.BlockSpec((RB, D_IN), lambda i: (i, 0)),
        pl.BlockSpec((RB, 1), lambda i: (i, 0)),
        pl.BlockSpec((RB, 1), lambda i: (i, 0)),
    ],
    out_specs=[
        pl.BlockSpec((RB, HALF), lambda i: (i, 0)),
        pl.BlockSpec((RB, HALF), lambda i: (i, 0)),
    ],
    out_shape=[
        jax.ShapeDtypeStruct((NP, HALF), jnp.float32),
        jax.ShapeDtypeStruct((NP, HALF), jnp.float32),
    ],
)


def _mlp_body(a0_ref, a1_ref, di0_ref, di1_ref, w1_ref, b1_ref, w2_ref, b2_ref, o_ref):
    din = di0_ref[...] + di1_ref[...]
    nd = lax.rsqrt(jnp.maximum(din, 1.0))
    a = jnp.concatenate([a0_ref[...], a1_ref[...]], axis=1) * nd
    h = jnp.dot(a, w1_ref[...], preferred_element_type=jnp.float32) + b1_ref[...]
    h = jnp.maximum(h, 0.0)
    o_ref[...] = jnp.dot(h, w2_ref[...], preferred_element_type=jnp.float32) + b2_ref[...]


_mlp = pl.pallas_call(
    _mlp_body,
    grid=(NP // RB,),
    in_specs=[
        pl.BlockSpec((RB, HALF), lambda i: (i, 0)),
        pl.BlockSpec((RB, HALF), lambda i: (i, 0)),
        pl.BlockSpec((RB, 1), lambda i: (i, 0)),
        pl.BlockSpec((RB, 1), lambda i: (i, 0)),
        pl.BlockSpec((D_IN, H1), lambda i: (0, 0)),
        pl.BlockSpec((1, H1), lambda i: (0, 0)),
        pl.BlockSpec((H1, NCLS), lambda i: (0, 0)),
        pl.BlockSpec((1, NCLS), lambda i: (0, 0)),
    ],
    out_specs=pl.BlockSpec((RB, NCLS), lambda i: (i, 0)),
    out_shape=jax.ShapeDtypeStruct((NP, NCLS), jnp.float32),
)


def kernel(x, edge_index, W1, b1, W2, b2):
    src = edge_index[0].astype(jnp.int32)
    dst = edge_index[1].astype(jnp.int32)
    pad = jnp.full((EP - E,), N, jnp.int32)
    src_p = jnp.concatenate([src, pad])
    dst_p = jnp.concatenate([dst, pad])
    src2 = src_p.reshape(EP // STEP, STEP)
    dst2 = dst_p.reshape(EP // STEP, STEP)
    x_p = jnp.pad(x, ((0, NP - N), (0, 0)))

    do0, di0, do1, di1 = _degree_kernel(src2, dst2)
    do0, di0, do1, di1 = (v.reshape(NP, 1) for v in (do0, di0, do1, di1))
    h0, h1 = _prescale(x_p, do0, do1)
    a0, a1 = _agg_kernel(h0, h1, src_p, dst2)
    out = _mlp(a0, a1, di0, di1, W1, b1.reshape(1, H1), W2, b2.reshape(1, NCLS))
    return out[:N]

# --- scband reference (transcript-rebuilt; emitter-appended) ---
"""Pipeline reference for scband-gcn-1-layer-fc-45311904973181 (READ-ONLY COPY).

The authoritative reference and input builder live on the scoring server;
editing this copy changes nothing except your own understanding.
"""

import jax, jax.numpy as jnp
import numpy as np

N = 10000
E = 160000
D_IN = 256
H1 = 256
N_CLASSES = 64


def setup_inputs(seed: int = 0) -> dict:
    key = jax.random.key(seed)
    ks = jax.random.split(key, 6)
    x = jax.random.normal(ks[0], (N, D_IN), dtype=jnp.float32)
    edge_index = jax.random.randint(ks[1], (2, E), 0, N)
    # GraphConv weight/bias (DGL-style glorot init approximated)
    W1 = jax.random.normal(ks[2], (D_IN, H1), dtype=jnp.float32) * (1.0 / np.sqrt(D_IN))
    b1 = jnp.zeros((H1,), dtype=jnp.float32)
    # Final Linear layer
    W2 = jax.random.normal(ks[3], (H1, N_CLASSES), dtype=jnp.float32) * (1.0 / np.sqrt(H1))
    b2 = jnp.zeros((N_CLASSES,), dtype=jnp.float32)
    return {"x": x, "edge_index": edge_index, "W1": W1, "b1": b1, "W2": W2, "b2": b2}


def reference(x, edge_index, W1, b1, W2, b2):
    # DGL GraphConv with norm='both':
    #   h = D_dst^{-1/2} A D_src^{-1/2} X W + b
    src = edge_index[0]
    dst = edge_index[1]
    ones = jnp.ones((E,), dtype=jnp.float32)
    deg_out = jax.ops.segment_sum(ones, src, num_segments=N)  # src out-degree
    deg_in = jax.ops.segment_sum(ones, dst, num_segments=N)   # dst in-degree
    norm_src = jnp.power(jnp.maximum(deg_out, 1.0), -0.5)
    norm_dst = jnp.power(jnp.maximum(deg_in, 1.0), -0.5)
    h = x * norm_src[:, None]
    msg = jnp.take(h, src, axis=0)                 # gather per-edge messages
    agg = jax.ops.segment_sum(msg, dst, num_segments=N)  # scatter-add by dst
    h = agg * norm_dst[:, None]
    h = h @ W1 + b1
    h = jax.nn.relu(h)
    out = h @ W2 + b2
    return out

if __name__ == "__main__":
    import jax
    _d = setup_inputs()
    print(jax.jit(kernel)(*tuple(_d.values())))

</pallas_src>

<mosaic_0001>
#map = affine_map<(d0, d1) -> (0, 0)>
#map1 = affine_map<(d0, d1) -> (0)>
module attributes {stable_mosaic.version = 14 : i64} {
  func.func @_agg_kernel(%arg0: i32, %arg1: i32, %arg2: memref<10240x128xf32, #tpu.memory_space<hbm>>, %arg3: memref<10240x128xf32, #tpu.memory_space<hbm>>, %arg4: memref<163840xi32, #tpu.memory_space<hbm>>, %arg5: memref<2560x64xi32, #tpu.memory_space<hbm>>, %arg6: memref<10240x128xf32, #tpu.memory_space<hbm>>, %arg7: memref<10240x128xf32, #tpu.memory_space<hbm>>, %arg8: memref<10240xi32, #tpu.memory_space<vmem>>, %arg9: memref<160x64xi32, #tpu.memory_space<vmem>>, %arg10: memref<64x128xf32, #tpu.memory_space<vmem>>, %arg11: memref<64x128xf32, #tpu.memory_space<vmem>>, %arg12: memref<10240x128xf32, #tpu.memory_space<vmem_shared>>, %arg13: memref<!tpu.dma_semaphore, #tpu.memory_space<semaphore_mem>>, %arg14: memref<!tpu.dma_semaphore, #tpu.memory_space<semaphore_mem>>) attributes {dimension_semantics = [#tpu.dimension_semantics<core_parallel>, #tpu.dimension_semantics<subcore_parallel>], iteration_bounds = array<i64: 2, 16>, scalar_prefetch = 0 : i64, scratch_operands = 7 : i64, tpu.core_type = #tpu.core_type<sc_vector_subcore>, window_params = [{transform_indices = #map}, {transform_indices = #map}, {transform_indices = #map1}, {transform_indices = #map}, {transform_indices = #map}, {transform_indices = #map}]} {
    %broadcast_in_dim3A = arith.constant 0.000000e+00 : f32
    %broadcast_in_dim3A_0 = vector.broadcast %broadcast_in_dim3A : f32 to vector<16xf32>
    %mul3A = arith.constant 10240 : i32
    %mul3A_1 = arith.muli %arg1, %mul3A : i32
    %dma_start3A = tpu.memref_slice %arg4[%mul3A_1] : memref<163840xi32, #tpu.memory_space<hbm>> -> memref<10240xi32, #tpu.memory_space<hbm>>
    %dma_start3A_2 = tpu.memref_slice %arg4[%mul3A_1] : memref<163840xi32, #tpu.memory_space<hbm>> -> memref<10240xi32, #tpu.memory_space<hbm>>
    tpu.enqueue_dma source(%dma_start3A_2 : memref<10240xi32, #tpu.memory_space<hbm>>) target(%arg8 : memref<10240xi32, #tpu.memory_space<vmem>>) target_semaphore(%arg13 : memref<!tpu.dma_semaphore, #tpu.memory_space<semaphore_mem>>)
    %mul3A_3 = arith.constant 160 : i32
    %mul3A_4 = arith.muli %arg1, %mul3A_3 : i32
    %dma_start3A_5 = arith.constant 0 : i32
    %dma_start3A_6 = tpu.memref_slice %arg5[%mul3A_4, %dma_start3A_5] : memref<2560x64xi32, #tpu.memory_space<hbm>> -> memref<160x64xi32, #tpu.memory_space<hbm>>
    %dma_start3A_7 = arith.constant 0 : i32
    %dma_start3A_8 = tpu.memref_slice %arg5[%mul3A_4, %dma_start3A_7] : memref<2560x64xi32, #tpu.memory_space<hbm>> -> memref<160x64xi32, #tpu.memory_space<hbm>>
    tpu.enqueue_dma source(%dma_start3A_8 : memref<160x64xi32, #tpu.memory_space<hbm>>) target(%arg9 : memref<160x64xi32, #tpu.memory_space<vmem>>) target_semaphore(%arg14 : memref<!tpu.dma_semaphore, #tpu.memory_space<semaphore_mem>>)
    %scan3A = arith.constant 0 : i32
    %scan3A_9 = arith.constant 0 : i32
    %scan3A_10 = arith.constant 64 : i32
    %scan3A_11 = arith.addi %scan3A_9, %scan3A_10 : i32
    %scan3A_12 = arith.constant 1 : i32
    %scan3A_13 = scf.for %scan3A_47 = %scan3A_9 to %scan3A_11 step %scan3A_12 iter_args(%scan3A_48 = %scan3A) -> (i32)  : i32 {
      %scan3A_49 = arith.constant 0 : i32
      %scan3A_50 = arith.constant 0 : i32
      %scan3A_51 = arith.constant 8 : i32
      %scan3A_52 = arith.addi %scan3A_50, %scan3A_51 : i32
      %scan3A_53 = arith.constant 1 : i32
      %scan3A_54 = scf.for %scan3A_57 = %scan3A_50 to %scan3A_52 step %scan3A_53 iter_args(%scan3A_58 = %scan3A_49) -> (i32)  : i32 {
        %mul3A_59 = arith.constant 16 : i32
        %mul3A_60 = arith.muli %scan3A_57, %mul3A_59 : i32
        %swap3A = arith.index_cast %scan3A_47 : i32 to index
        %swap3A_61 = arith.index_cast %mul3A_60 : i32 to index
        %swap3A_62 = tpu.vector_load %arg10[%swap3A, %swap3A_61] {strides = array<i32>} : memref<64x128xf32, #tpu.memory_space<vmem>>, vector<1x16xf32>,
        %swap3A_63 = vector.shape_cast %swap3A_62 : vector<1x16xf32> to vector<16xf32>
        %swap3A_64 = vector.shape_cast %broadcast_in_dim3A_0 : vector<16xf32> to vector<1x16xf32>
        tpu.vector_store %arg10[%swap3A, %swap3A_61], %swap3A_64 {strides = array<i32>} : memref<64x128xf32, #tpu.memory_space<vmem>>, vector<1x16xf32>,
        %scan3A_65 = arith.constant 0 : i32
        scf.yield %scan3A_65 : i32
      }
      %scan3A_55 = arith.constant 8 : i32
      %scan3A_56 = arith.constant 0 : i32
      scf.yield %scan3A_56 : i32
    }
    %scan3A_14 = arith.constant 64 : i32
    %mul3A_15 = arith.constant 640 : i32
    %mul3A_16 = arith.muli %arg1, %mul3A_15 : i32
    %multiple_of3A = tpu.assume_multiple %mul3A_16, 8 : i32
    %scan3A_17 = arith.constant 0 : i32
    %scan3A_18 = arith.constant 0 : i32
    %scan3A_19 = arith.constant 10 : i32
    %scan3A_20 = arith.addi %scan3A_18, %scan3A_19 : i32
    %scan3A_21 = arith.constant 1 : i32
    %scan3A_22 = scf.for %scan3A_47 = %scan3A_18 to %scan3A_20 step %scan3A_21 iter_args(%scan3A_48 = %scan3A_17) -> (i32)  : i32 {
      %mul3A_49 = arith.constant 64 : i32
      %mul3A_50 = arith.muli %scan3A_47, %mul3A_49 : i32
      %add3A = arith.addi %multiple_of3A, %mul3A_50 : i32
      %multiple_of3A_51 = tpu.assume_multiple %add3A, 8 : i32
      "tpu.region"() ({
        %run_scoped3A = tpu.sem_alloc : memref<!tpu.dma_semaphore, #tpu.memory_space<semaphore_mem>>
        %dma_start3A_53 = arith.constant 0 : i32
        %dma_start3A_54 = tpu.memref_slice %arg12[%multiple_of3A_51, %dma_start3A_53] : memref<10240x128xf32, #tpu.memory_space<vmem_shared>> -> memref<64x128xf32, #tpu.memory_space<vmem_shared>>
        %dma_start3A_55 = arith.constant 0 : i32
        %dma_start3A_56 = tpu.memref_slice %arg12[%multiple_of3A_51, %dma_start3A_55] : memref<10240x128xf32, #tpu.memory_space<vmem_shared>> -> memref<64x128xf32, #tpu.memory_space<vmem_shared>>
        tpu.enqueue_dma source(%arg10 : memref<64x128xf32, #tpu.memory_space<vmem>>) target(%dma_start3A_56 : memref<64x128xf32, #tpu.memory_space<vmem_shared>>) target_semaphore(%run_scoped3A : memref<!tpu.dma_semaphore, #tpu.memory_space<semaphore_mem>>)
        %dma_wait3A_57 = arith.constant 0 : i32
        %dma_wait3A_58 = tpu.memref_slice %arg12[%multiple_of3A_51, %dma_wait3A_57] : memref<10240x128xf32, #tpu.memory_space<vmem_shared>> -> memref<64x128xf32, #tpu.memory_space<vmem_shared>>
        %dma_wait3A_59 = arith.constant 0 : i32
        %dma_wait3A_60 = tpu.memref_slice %arg12[%multiple_of3A_51, %dma_wait3A_59] : memref<10240x128xf32, #tpu.memory_space<vmem_shared>> -> memref<64x128xf32, #tpu.memory_space<vmem_shared>>
        tpu.wait_dma2 semaphore(%run_scoped3A : memref<!tpu.dma_semaphore, #tpu.memory_space<semaphore_mem>>) src(%arg10 : memref<64x128xf32, #tpu.memory_space<vmem>>) dst(%dma_wait3A_60 : memref<64x128xf32, #tpu.memory_space<vmem_shared>>)
        tpu.yield
      }) : () -> ()
      %scan3A_52 = arith.constant 0 : i32
      scf.yield %scan3A_52 : i32
    }
    %scan3A_23 = arith.constant 10 : i32
    %mul3A_24 = arith.constant 10240 : i32
    %mul3A_25 = arith.muli %arg1, %mul3A_24 : i32
    %dma_wait3A = tpu.memref_slice %arg4[%mul3A_25] : memref<163840xi32, #tpu.memory_space<hbm>> -> memref<10240xi32, #tpu.memory_space<hbm>>
    %dma_wait3A_26 = tpu.memref_slice %arg4[%mul3A_25] : memref<163840xi32, #tpu.memory_space<hbm>> -> memref<10240xi32, #tpu.memory_space<hbm>>
    tpu.wait_dma2 semaphore(%arg13 : memref<!tpu.dma_semaphore, #tpu.memory_space<semaphore_mem>>) src(%dma_wait3A_26 : memref<10240xi32, #tpu.memory_space<hbm>>) dst(%arg8 : memref<10240xi32, #tpu.memory_space<vmem>>)
    %mul3A_27 = arith.constant 160 : i32
    %mul3A_28 = arith.muli %arg1, %mul3A_27 : i32
    %dma_wait3A_29 = arith.constant 0 : i32
    %dma_wait3A_30 = tpu.memref_slice %arg5[%mul3A_28, %dma_wait3A_29] : memref<2560x64xi32, #tpu.memory_space<hbm>> -> memref<160x64xi32, #tpu.memory_space<hbm>>
    %dma_wait3A_31 = arith.constant 0 : i32
    %dma_wait3A_32 = tpu.memref_slice %arg5[%mul3A_28, %dma_wait3A_31] : memref<2560x64xi32, #tpu.memory_space<hbm>> -> memref<160x64xi32, #tpu.memory_space<hbm>>
    tpu.wait_dma2 semaphore(%arg14 : memref<!tpu.dma_semaphore, #tpu.memory_space<semaphore_mem>>) src(%dma_wait3A_32 : memref<160x64xi32, #tpu.memory_space<hbm>>) dst(%arg9 : memref<160x64xi32, #tpu.memory_space<vmem>>)
    %eq3A = arith.constant 0 : i32
    %eq3A_33 = arith.cmpi eq, %arg0, %eq3A : i32
    %convert_element_type3A = arith.extui %eq3A_33 : i1 to i32
    %cond3A = arith.constant 0 : i32
    %cond3A_34 = arith.cmpi ne, %convert_element_type3A, %cond3A : i32
    scf.if %cond3A_34 {
      %multiple_of3A_47 = arith.constant 0 : i32
      %multiple_of3A_48 = tpu.assume_multiple %multiple_of3A_47, 8 : i32
      %dma_start3A_49 = tpu.memref_slice %arg8[%multiple_of3A_48] : memref<10240xi32, #tpu.memory_space<vmem>> -> memref<64xi32, #tpu.memory_space<vmem>>
      %dma_start3A_50 = arith.constant 0 : i32
      %dma_start3A_51 = arith.constant 0 : i32
      %dma_start3A_52 = tpu.memref_slice %arg2[%dma_start3A_50, %dma_start3A_51] : memref<10240x128xf32, #tpu.memory_space<hbm>> -> memref<10240x128xf32, #tpu.memory_space<hbm>>
      tpu.enqueue_indirect_dma source(%dma_start3A_52 : memref<10240x128xf32, #tpu.memory_space<hbm>>) target(%arg10 : memref<64x128xf32, #tpu.memory_space<vmem>>) offsets(%dma_start3A_49 : memref<64xi32, #tpu.memory_space<vmem>>) semaphore(%arg13 : memref<!tpu.dma_semaphore, #tpu.memory_space<semaphore_mem>>)
      %barrier3A_53 = arith.constant 0 : index
      tpu.barrier barrier_id(%barrier3A_53)
      %scan3A_54 = arith.constant 0 : i32
      %scan3A_55 = arith.constant 0 : i32
      %scan3A_56 = arith.constant 80 : i32
      %scan3A_57 = arith.addi %scan3A_55, %scan3A_56 : i32
      %scan3A_58 = arith.constant 1 : i32
      %scan3A_59 = scf.for %scan3A_61 = %scan3A_55 to %scan3A_57 step %scan3A_58 iter_args(%scan3A_62 = %scan3A_54) -> (i32)  : i32 {
        %mul3A_63 = arith.constant 2 : i32
        %mul3A_64 = arith.muli %mul3A_63, %scan3A_61 : i32
        %mul3A_65 = arith.constant 2 : i32
        %mul3A_66 = arith.muli %mul3A_65, %scan3A_61 : i32
        %add3A = arith.constant 1 : i32
        %add3A_67 = arith.addi %mul3A_66, %add3A : i32
        %mul3A_68 = arith.constant 64 : i32
        %mul3A_69 = arith.muli %add3A_67, %mul3A_68 : i32
        %multiple_of3A_70 = tpu.assume_multiple %mul3A_69, 8 : i32
        %dma_start3A_71 = tpu.memref_slice %arg8[%multiple_of3A_70] : memref<10240xi32, #tpu.memory_space<vmem>> -> memref<64xi32, #tpu.memory_space<vmem>>
        %dma_start3A_72 = arith.constant 0 : i32
        %dma_start3A_73 = arith.constant 0 : i32
        %dma_start3A_74 = tpu.memref_slice %arg2[%dma_start3A_72, %dma_start3A_73] : memref<10240x128xf32, #tpu.memory_space<hbm>> -> memref<10240x128xf32, #tpu.memory_space<hbm>>
        tpu.enqueue_indirect_dma source(%dma_start3A_74 : memref<10240x128xf32, #tpu.memory_space<hbm>>) target(%arg11 : memref<64x128xf32, #tpu.memory_space<vmem>>) offsets(%dma_start3A_71 : memref<64xi32, #tpu.memory_space<vmem>>) semaphore(%arg14 : memref<!tpu.dma_semaphore, #tpu.memory_space<semaphore_mem>>)
        %mul3A_75 = arith.constant 64 : i32
        %mul3A_76 = arith.muli %mul3A_64, %mul3A_75 : i32
        %multiple_of3A_77 = tpu.assume_multiple %mul3A_76, 8 : i32
        %dma_wait3A_78 = tpu.memref_slice %arg8[%multiple_of3A_77] : memref<10240xi32, #tpu.memory_space<vmem>> -> memref<64xi32, #tpu.memory_space<vmem>>
        %dma_wait3A_79 = arith.constant 0 : i32
        %dma_wait3A_80 = arith.constant 0 : i32
        %dma_wait3A_81 = tpu.memref_slice %arg2[%dma_wait3A_79, %dma_wait3A_80] : memref<10240x128xf32, #tpu.memory_space<hbm>> -> memref<10240x128xf32, #tpu.memory_space<hbm>>
        tpu.wait_indirect_dma semaphore(%arg13 : memref<!tpu.dma_semaphore, #tpu.memory_space<semaphore_mem>>) src(%dma_wait3A_81 : memref<10240x128xf32, #tpu.memory_space<hbm>>) dst(%arg10 : memref<64x128xf32, #tpu.memory_space<vmem>>)
        "tpu.region"() ({
          %run_scoped3A = tpu.sem_alloc : memref<!tpu.dma_semaphore, #tpu.memory_space<semaphore_mem>>
          %dma_start3A_96 = arith.constant 0 : i32
          %dma_start3A_97 = tpu.memref_slice %arg9[%mul3A_64, %dma_start3A_96] : memref<160x64xi32, #tpu.memory_space<vmem>> -> memref<1x64xi32, #tpu.memory_space<vmem>>
          %dma_start3A_98 = tpu.memref_squeeze %dma_start3A_97 : memref<1x64xi32, #tpu.memory_space<vmem>> -> memref<64xi32, #tpu.memory_space<vmem>>
          %dma_start3A_99 = arith.constant 0 : i32
          %dma_start3A_100 = arith.constant 0 : i32
          %dma_start3A_101 = tpu.memref_slice %arg12[%dma_start3A_99, %dma_start3A_100] : memref<10240x128xf32, #tpu.memory_space<vmem_shared>> -> memref<10240x128xf32, #tpu.memory_space<vmem_shared>>
          tpu.enqueue_indirect_dma source(%arg10 : memref<64x128xf32, #tpu.memory_space<vmem>>) target(%dma_start3A_101 : memref<10240x128xf32, #tpu.memory_space<vmem_shared>>) offsets(%dma_start3A_98 : memref<64xi32, #tpu.memory_space<vmem>>) semaphore(%run_scoped3A : memref<!tpu.dma_semaphore, #tpu.memory_space<semaphore_mem>>) {add = true}
          %dma_wait3A_102 = arith.constant 0 : i32
          %dma_wait3A_103 = tpu.memref_slice %arg9[%mul3A_64, %dma_wait3A_102] : memref<160x64xi32, #tpu.memory_space<vmem>> -> memref<1x64xi32, #tpu.memory_space<vmem>>
          %dma_wait3A_104 = tpu.memref_squeeze %dma_wait3A_103 : memref<1x64xi32, #tpu.memory_space<vmem>> -> memref<64xi32, #tpu.memory_space<vmem>>
          %dma_wait3A_105 = arith.constant 0 : i32
          %dma_wait3A_106 = arith.constant 0 : i32
          %dma_wait3A_107 = tpu.memref_slice %arg12[%dma_wait3A_105, %dma_wait3A_106] : memref<10240x128xf32, #tpu.memory_space<vmem_shared>> -> memref<10240x128xf32, #tpu.memory_space<vmem_shared>>
          tpu.wait_indirect_dma semaphore(%run_scoped3A : memref<!tpu.dma_semaphore, #tpu.memory_space<semaphore_mem>>) src(%arg10 : memref<64x128xf32, #tpu.memory_space<vmem>>) dst(%dma_wait3A_107 : memref<10240x128xf32, #tpu.memory_space<vmem_shared>>)
          tpu.yield
        }) : () -> ()
        %add3A_82 = arith.constant 1 : i32
        %add3A_83 = arith.addi %scan3A_61, %add3A_82 : i32
        %lt3A = arith.constant 80 : i32
        %lt3A_84 = arith.cmpi slt, %add3A_83, %lt3A : i32
        %convert_element_type3A_85 = arith.extui %lt3A_84 : i1 to i32
        %cond3A_86 = arith.constant 0 : i32
        %cond3A_87 = arith.cmpi ne, %convert_element_type3A_85, %cond3A_86 : i32
        scf.if %cond3A_87 {
          %add3A_96 = arith.constant 2 : i32
          %add3A_97 = arith.addi %mul3A_64, %add3A_96 : i32
          %mul3A_98 = arith.constant 64 : i32
          %mul3A_99 = arith.muli %add3A_97, %mul3A_98 : i32
          %multiple_of3A_100 = tpu.assume_multiple %mul3A_99, 8 : i32
          %dma_start3A_101 = tpu.memref_slice %arg8[%multiple_of3A_100] : memref<10240xi32, #tpu.memory_space<vmem>> -> memref<64xi32, #tpu.memory_space<vmem>>
          %dma_start3A_102 = arith.constant 0 : i32
          %dma_start3A_103 = arith.constant 0 : i32
          %dma_start3A_104 = tpu.memref_slice %arg2[%dma_start3A_102, %dma_start3A_103] : memref<10240x128xf32, #tpu.memory_space<hbm>> -> memref<10240x128xf32, #tpu.memory_space<hbm>>
          tpu.enqueue_indirect_dma source(%dma_start3A_104 : memref<10240x128xf32, #tpu.memory_space<hbm>>) target(%arg10 : memref<64x128xf32, #tpu.memory_space<vmem>>) offsets(%dma_start3A_101 : memref<64xi32, #tpu.memory_space<vmem>>) semaphore(%arg13 : memref<!tpu.dma_semaphore, #tpu.memory_space<semaphore_mem>>)
        } else {
        }
        %mul3A_88 = arith.constant 64 : i32
        %mul3A_89 = arith.muli %add3A_67, %mul3A_88 : i32
        %multiple_of3A_90 = tpu.assume_multiple %mul3A_89, 8 : i32
        %dma_wait3A_91 = tpu.memref_slice %arg8[%multiple_of3A_90] : memref<10240xi32, #tpu.memory_space<vmem>> -> memref<64xi32, #tpu.memory_space<vmem>>
        %dma_wait3A_92 = arith.constant 0 : i32
        %dma_wait3A_93 = arith.constant 0 : i32
        %dma_wait3A_94 = tpu.memref_slice %arg2[%dma_wait3A_92, %dma_wait3A_93] : memref<10240x128xf32, #tpu.memory_space<hbm>> -> memref<10240x128xf32, #tpu.memory_space<hbm>>
        tpu.wait_indirect_dma semaphore(%arg14 : memref<!tpu.dma_semaphore, #tpu.memory_space<semaphore_mem>>) src(%dma_wait3A_94 : memref<10240x128xf32, #tpu.memory_space<hbm>>) dst(%arg11 : memref<64x128xf32, #tpu.memory_space<vmem>>)
        "tpu.region"() ({
          %run_scoped3A = tpu.sem_alloc : memref<!tpu.dma_semaphore, #tpu.memory_space<semaphore_mem>>
          %dma_start3A_96 = arith.constant 0 : i32
          %dma_start3A_97 = tpu.memref_slice %arg9[%add3A_67, %dma_start3A_96] : memref<160x64xi32, #tpu.memory_space<vmem>> -> memref<1x64xi32, #tpu.memory_space<vmem>>
          %dma_start3A_98 = tpu.memref_squeeze %dma_start3A_97 : memref<1x64xi32, #tpu.memory_space<vmem>> -> memref<64xi32, #tpu.memory_space<vmem>>
          %dma_start3A_99 = arith.constant 0 : i32
          %dma_start3A_100 = arith.constant 0 : i32
          %dma_start3A_101 = tpu.memref_slice %arg12[%dma_start3A_99, %dma_start3A_100] : memref<10240x128xf32, #tpu.memory_space<vmem_shared>> -> memref<10240x128xf32, #tpu.memory_space<vmem_shared>>
          tpu.enqueue_indirect_dma source(%arg11 : memref<64x128xf32, #tpu.memory_space<vmem>>) target(%dma_start3A_101 : memref<10240x128xf32, #tpu.memory_space<vmem_shared>>) offsets(%dma_start3A_98 : memref<64xi32, #tpu.memory_space<vmem>>) semaphore(%run_scoped3A : memref<!tpu.dma_semaphore, #tpu.memory_space<semaphore_mem>>) {add = true}
          %dma_wait3A_102 = arith.constant 0 : i32
          %dma_wait3A_103 = tpu.memref_slice %arg9[%add3A_67, %dma_wait3A_102] : memref<160x64xi32, #tpu.memory_space<vmem>> -> memref<1x64xi32, #tpu.memory_space<vmem>>
          %dma_wait3A_104 = tpu.memref_squeeze %dma_wait3A_103 : memref<1x64xi32, #tpu.memory_space<vmem>> -> memref<64xi32, #tpu.memory_space<vmem>>
          %dma_wait3A_105 = arith.constant 0 : i32
          %dma_wait3A_106 = arith.constant 0 : i32
          %dma_wait3A_107 = tpu.memref_slice %arg12[%dma_wait3A_105, %dma_wait3A_106] : memref<10240x128xf32, #tpu.memory_space<vmem_shared>> -> memref<10240x128xf32, #tpu.memory_space<vmem_shared>>
          tpu.wait_indirect_dma semaphore(%run_scoped3A : memref<!tpu.dma_semaphore, #tpu.memory_space<semaphore_mem>>) src(%arg11 : memref<64x128xf32, #tpu.memory_space<vmem>>) dst(%dma_wait3A_107 : memref<10240x128xf32, #tpu.memory_space<vmem_shared>>)
          tpu.yield
        }) : () -> ()
        %scan3A_95 = arith.constant 0 : i32
        scf.yield %scan3A_95 : i32
      }
      %scan3A_60 = arith.constant 80 : i32
    } else {
    }
    %eq3A_35 = arith.constant 1 : i32
    %eq3A_36 = arith.cmpi eq, %arg0, %eq3A_35 : i32
    %convert_element_type3A_37 = arith.extui %eq3A_36 : i1 to i32
    %cond3A_38 = arith.constant 0 : i32
    %cond3A_39 = arith.cmpi ne, %convert_element_type3A_37, %cond3A_38 : i32
    scf.if %cond3A_39 {
      %multiple_of3A_47 = arith.constant 0 : i32
      %multiple_of3A_48 = tpu.assume_multiple %multiple_of3A_47, 8 : i32
      %dma_start3A_49 = tpu.memref_slice %arg8[%multiple_of3A_48] : memref<10240xi32, #tpu.memory_space<vmem>> -> memref<64xi32, #tpu.memory_space<vmem>>
      %dma_start3A_50 = arith.constant 0 : i32
      %dma_start3A_51 = arith.constant 0 : i32
      %dma_start3A_52 = tpu.memref_slice %arg3[%dma_start3A_50, %dma_start3A_51] : memref<10240x128xf32, #tpu.memory_space<hbm>> -> memref<10240x128xf32, #tpu.memory_space<hbm>>
      tpu.enqueue_indirect_dma source(%dma_start3A_52 : memref<10240x128xf32, #tpu.memory_space<hbm>>) target(%arg10 : memref<64x128xf32, #tpu.memory_space<vmem>>) offsets(%dma_start3A_49 : memref<64xi32, #tpu.memory_space<vmem>>) semaphore(%arg13 : memref<!tpu.dma_semaphore, #tpu.memory_space<semaphore_mem>>)
      %barrier3A_53 = arith.constant 0 : index
      tpu.barrier barrier_id(%barrier3A_53)
      %scan3A_54 = arith.constant 0 : i32
      %scan3A_55 = arith.constant 0 : i32
      %scan3A_56 = arith.constant 80 : i32
      %scan3A_57 = arith.addi %scan3A_55, %scan3A_56 : i32
      %scan3A_58 = arith.constant 1 : i32
      %scan3A_59 = scf.for %scan3A_61 = %scan3A_55 to %scan3A_57 step %scan3A_58 iter_args(%scan3A_62 = %scan3A_54) -> (i32)  : i32 {
        %mul3A_63 = arith.constant 2 : i32
        %mul3A_64 = arith.muli %mul3A_63, %scan3A_61 : i32
        %mul3A_65 = arith.constant 2 : i32
        %mul3A_66 = arith.muli %mul3A_65, %scan3A_61 : i32
        %add3A = arith.constant 1 : i32
        %add3A_67 = arith.addi %mul3A_66, %add3A : i32
        %mul3A_68 = arith.constant 64 : i32
        %mul3A_69 = arith.muli %add3A_67, %mul3A_68 : i32
        %multiple_of3A_70 = tpu.assume_multiple %mul3A_69, 8 : i32
        %dma_start3A_71 = tpu.memref_slice %arg8[%multiple_of3A_70] : memref<10240xi32, #tpu.memory_space<vmem>> -> memref<64xi32, #tpu.memory_space<vmem>>
        %dma_start3A_72 = arith.constant 0 : i32
        %dma_start3A_73 = arith.constant 0 : i32
        %dma_start3A_74 = tpu.memref_slice %arg3[%dma_start3A_72, %dma_start3A_73] : memref<10240x128xf32, #tpu.memory_space<hbm>> -> memref<10240x128xf32, #tpu.memory_space<hbm>>
        tpu.enqueue_indirect_dma source(%dma_start3A_74 : memref<10240x128xf32, #tpu.memory_space<hbm>>) target(%arg11 : memref<64x128xf32, #tpu.memory_space<vmem>>) offsets(%dma_start3A_71 : memref<64xi32, #tpu.memory_space<vmem>>) semaphore(%arg14 : memref<!tpu.dma_semaphore, #tpu.memory_space<semaphore_mem>>)
        %mul3A_75 = arith.constant 64 : i32
        %mul3A_76 = arith.muli %mul3A_64, %mul3A_75 : i32
        %multiple_of3A_77 = tpu.assume_multiple %mul3A_76, 8 : i32
        %dma_wait3A_78 = tpu.memref_slice %arg8[%multiple_of3A_77] : memref<10240xi32, #tpu.memory_space<vmem>> -> memref<64xi32, #tpu.memory_space<vmem>>
        %dma_wait3A_79 = arith.constant 0 : i32
        %dma_wait3A_80 = arith.constant 0 : i32
        %dma_wait3A_81 = tpu.memref_slice %arg3[%dma_wait3A_79, %dma_wait3A_80] : memref<10240x128xf32, #tpu.memory_space<hbm>> -> memref<10240x128xf32, #tpu.memory_space<hbm>>
        tpu.wait_indirect_dma semaphore(%arg13 : memref<!tpu.dma_semaphore, #tpu.memory_space<semaphore_mem>>) src(%dma_wait3A_81 : memref<10240x128xf32, #tpu.memory_space<hbm>>) dst(%arg10 : memref<64x128xf32, #tpu.memory_space<vmem>>)
        "tpu.region"() ({
          %run_scoped3A = tpu.sem_alloc : memref<!tpu.dma_semaphore, #tpu.memory_space<semaphore_mem>>
          %dma_start3A_96 = arith.constant 0 : i32
          %dma_start3A_97 = tpu.memref_slice %arg9[%mul3A_64, %dma_start3A_96] : memref<160x64xi32, #tpu.memory_space<vmem>> -> memref<1x64xi32, #tpu.memory_space<vmem>>
          %dma_start3A_98 = tpu.memref_squeeze %dma_start3A_97 : memref<1x64xi32, #tpu.memory_space<vmem>> -> memref<64xi32, #tpu.memory_space<vmem>>
          %dma_start3A_99 = arith.constant 0 : i32
          %dma_start3A_100 = arith.constant 0 : i32
          %dma_start3A_101 = tpu.memref_slice %arg12[%dma_start3A_99, %dma_start3A_100] : memref<10240x128xf32, #tpu.memory_space<vmem_shared>> -> memref<10240x128xf32, #tpu.memory_space<vmem_shared>>
          tpu.enqueue_indirect_dma source(%arg10 : memref<64x128xf32, #tpu.memory_space<vmem>>) target(%dma_start3A_101 : memref<10240x128xf32, #tpu.memory_space<vmem_shared>>) offsets(%dma_start3A_98 : memref<64xi32, #tpu.memory_space<vmem>>) semaphore(%run_scoped3A : memref<!tpu.dma_semaphore, #tpu.memory_space<semaphore_mem>>) {add = true}
          %dma_wait3A_102 = arith.constant 0 : i32
          %dma_wait3A_103 = tpu.memref_slice %arg9[%mul3A_64, %dma_wait3A_102] : memref<160x64xi32, #tpu.memory_space<vmem>> -> memref<1x64xi32, #tpu.memory_space<vmem>>
          %dma_wait3A_104 = tpu.memref_squeeze %dma_wait3A_103 : memref<1x64xi32, #tpu.memory_space<vmem>> -> memref<64xi32, #tpu.memory_space<vmem>>
          %dma_wait3A_105 = arith.constant 0 : i32
          %dma_wait3A_106 = arith.constant 0 : i32
          %dma_wait3A_107 = tpu.memref_slice %arg12[%dma_wait3A_105, %dma_wait3A_106] : memref<10240x128xf32, #tpu.memory_space<vmem_shared>> -> memref<10240x128xf32, #tpu.memory_space<vmem_shared>>
          tpu.wait_indirect_dma semaphore(%run_scoped3A : memref<!tpu.dma_semaphore, #tpu.memory_space<semaphore_mem>>) src(%arg10 : memref<64x128xf32, #tpu.memory_space<vmem>>) dst(%dma_wait3A_107 : memref<10240x128xf32, #tpu.memory_space<vmem_shared>>)
          tpu.yield
        }) : () -> ()
        %add3A_82 = arith.constant 1 : i32
        %add3A_83 = arith.addi %scan3A_61, %add3A_82 : i32
        %lt3A = arith.constant 80 : i32
        %lt3A_84 = arith.cmpi slt, %add3A_83, %lt3A : i32
        %convert_element_type3A_85 = arith.extui %lt3A_84 : i1 to i32
        %cond3A_86 = arith.constant 0 : i32
        %cond3A_87 = arith.cmpi ne, %convert_element_type3A_85, %cond3A_86 : i32
        scf.if %cond3A_87 {
          %add3A_96 = arith.constant 2 : i32
          %add3A_97 = arith.addi %mul3A_64, %add3A_96 : i32
          %mul3A_98 = arith.constant 64 : i32
          %mul3A_99 = arith.muli %add3A_97, %mul3A_98 : i32
          %multiple_of3A_100 = tpu.assume_multiple %mul3A_99, 8 : i32
          %dma_start3A_101 = tpu.memref_slice %arg8[%multiple_of3A_100] : memref<10240xi32, #tpu.memory_space<vmem>> -> memref<64xi32, #tpu.memory_space<vmem>>
          %dma_start3A_102 = arith.constant 0 : i32
          %dma_start3A_103 = arith.constant 0 : i32
          %dma_start3A_104 = tpu.memref_slice %arg3[%dma_start3A_102, %dma_start3A_103] : memref<10240x128xf32, #tpu.memory_space<hbm>> -> memref<10240x128xf32, #tpu.memory_space<hbm>>
          tpu.enqueue_indirect_dma source(%dma_start3A_104 : memref<10240x128xf32, #tpu.memory_space<hbm>>) target(%arg10 : memref<64x128xf32, #tpu.memory_space<vmem>>) offsets(%dma_start3A_101 : memref<64xi32, #tpu.memory_space<vmem>>) semaphore(%arg13 : memref<!tpu.dma_semaphore, #tpu.memory_space<semaphore_mem>>)
        } else {
        }
        %mul3A_88 = arith.constant 64 : i32
        %mul3A_89 = arith.muli %add3A_67, %mul3A_88 : i32
        %multiple_of3A_90 = tpu.assume_multiple %mul3A_89, 8 : i32
        %dma_wait3A_91 = tpu.memref_slice %arg8[%multiple_of3A_90] : memref<10240xi32, #tpu.memory_space<vmem>> -> memref<64xi32, #tpu.memory_space<vmem>>
        %dma_wait3A_92 = arith.constant 0 : i32
        %dma_wait3A_93 = arith.constant 0 : i32
        %dma_wait3A_94 = tpu.memref_slice %arg3[%dma_wait3A_92, %dma_wait3A_93] : memref<10240x128xf32, #tpu.memory_space<hbm>> -> memref<10240x128xf32, #tpu.memory_space<hbm>>
        tpu.wait_indirect_dma semaphore(%arg14 : memref<!tpu.dma_semaphore, #tpu.memory_space<semaphore_mem>>) src(%dma_wait3A_94 : memref<10240x128xf32, #tpu.memory_space<hbm>>) dst(%arg11 : memref<64x128xf32, #tpu.memory_space<vmem>>)
        "tpu.region"() ({
          %run_scoped3A = tpu.sem_alloc : memref<!tpu.dma_semaphore, #tpu.memory_space<semaphore_mem>>
          %dma_start3A_96 = arith.constant 0 : i32
          %dma_start3A_97 = tpu.memref_slice %arg9[%add3A_67, %dma_start3A_96] : memref<160x64xi32, #tpu.memory_space<vmem>> -> memref<1x64xi32, #tpu.memory_space<vmem>>
          %dma_start3A_98 = tpu.memref_squeeze %dma_start3A_97 : memref<1x64xi32, #tpu.memory_space<vmem>> -> memref<64xi32, #tpu.memory_space<vmem>>
          %dma_start3A_99 = arith.constant 0 : i32
          %dma_start3A_100 = arith.constant 0 : i32
          %dma_start3A_101 = tpu.memref_slice %arg12[%dma_start3A_99, %dma_start3A_100] : memref<10240x128xf32, #tpu.memory_space<vmem_shared>> -> memref<10240x128xf32, #tpu.memory_space<vmem_shared>>
          tpu.enqueue_indirect_dma source(%arg11 : memref<64x128xf32, #tpu.memory_space<vmem>>) target(%dma_start3A_101 : memref<10240x128xf32, #tpu.memory_space<vmem_shared>>) offsets(%dma_start3A_98 : memref<64xi32, #tpu.memory_space<vmem>>) semaphore(%run_scoped3A : memref<!tpu.dma_semaphore, #tpu.memory_space<semaphore_mem>>) {add = true}
          %dma_wait3A_102 = arith.constant 0 : i32
          %dma_wait3A_103 = tpu.memref_slice %arg9[%add3A_67, %dma_wait3A_102] : memref<160x64xi32, #tpu.memory_space<vmem>> -> memref<1x64xi32, #tpu.memory_space<vmem>>
          %dma_wait3A_104 = tpu.memref_squeeze %dma_wait3A_103 : memref<1x64xi32, #tpu.memory_space<vmem>> -> memref<64xi32, #tpu.memory_space<vmem>>
          %dma_wait3A_105 = arith.constant 0 : i32
          %dma_wait3A_106 = arith.constant 0 : i32
          %dma_wait3A_107 = tpu.memref_slice %arg12[%dma_wait3A_105, %dma_wait3A_106] : memref<10240x128xf32, #tpu.memory_space<vmem_shared>> -> memref<10240x128xf32, #tpu.memory_space<vmem_shared>>
          tpu.wait_indirect_dma semaphore(%run_scoped3A : memref<!tpu.dma_semaphore, #tpu.memory_space<semaphore_mem>>) src(%arg11 : memref<64x128xf32, #tpu.memory_space<vmem>>) dst(%dma_wait3A_107 : memref<10240x128xf32, #tpu.memory_space<vmem_shared>>)
          tpu.yield
        }) : () -> ()
        %scan3A_95 = arith.constant 0 : i32
        scf.yield %scan3A_95 : i32
      }
      %scan3A_60 = arith.constant 80 : i32
    } else {
    }
    %barrier3A = arith.constant 0 : index
    tpu.barrier barrier_id(%barrier3A)
    %scan3A_40 = arith.constant 0 : i32
    %scan3A_41 = arith.constant 0 : i32
    %scan3A_42 = arith.constant 10 : i32
    %scan3A_43 = arith.addi %scan3A_41, %scan3A_42 : i32
    %scan3A_44 = arith.constant 1 : i32
    %scan3A_45 = scf.for %scan3A_47 = %scan3A_41 to %scan3A_43 step %scan3A_44 iter_args(%scan3A_48 = %scan3A_40) -> (i32)  : i32 {
      %mul3A_49 = arith.constant 64 : i32
      %mul3A_50 = arith.muli %scan3A_47, %mul3A_49 : i32
      %add3A = arith.addi %multiple_of3A, %mul3A_50 : i32
      %multiple_of3A_51 = tpu.assume_multiple %add3A, 8 : i32
      %eq3A_52 = arith.constant 0 : i32
      %eq3A_53 = arith.cmpi eq, %arg0, %eq3A_52 : i32
      %convert_element_type3A_54 = arith.extui %eq3A_53 : i1 to i32
      %cond3A_55 = arith.constant 0 : i32
      %cond3A_56 = arith.cmpi ne, %convert_element_type3A_54, %cond3A_55 : i32
      scf.if %cond3A_56 {
        "tpu.region"() ({
          %run_scoped3A = tpu.sem_alloc : memref<!tpu.dma_semaphore, #tpu.memory_space<semaphore_mem>>
          %dma_start3A_63 = arith.constant 0 : i32
          %dma_start3A_64 = tpu.memref_slice %arg6[%multiple_of3A_51, %dma_start3A_63] : memref<10240x128xf32, #tpu.memory_space<hbm>> -> memref<64x128xf32, #tpu.memory_space<hbm>>
          %dma_start3A_65 = arith.constant 0 : i32
          %dma_start3A_66 = tpu.memref_slice %arg12[%multiple_of3A_51, %dma_start3A_65] : memref<10240x128xf32, #tpu.memory_space<vmem_shared>> -> memref<64x128xf32, #tpu.memory_space<vmem_shared>>
          tpu.enqueue_dma source(%dma_start3A_66 : memref<64x128xf32, #tpu.memory_space<vmem_shared>>) target(%dma_start3A_64 : memref<64x128xf32, #tpu.memory_space<hbm>>) target_semaphore(%run_scoped3A : memref<!tpu.dma_semaphore, #tpu.memory_space<semaphore_mem>>)
          %dma_wait3A_67 = arith.constant 0 : i32
          %dma_wait3A_68 = tpu.memref_slice %arg6[%multiple_of3A_51, %dma_wait3A_67] : memref<10240x128xf32, #tpu.memory_space<hbm>> -> memref<64x128xf32, #tpu.memory_space<hbm>>
          %dma_wait3A_69 = arith.constant 0 : i32
          %dma_wait3A_70 = tpu.memref_slice %arg12[%multiple_of3A_51, %dma_wait3A_69] : memref<10240x128xf32, #tpu.memory_space<vmem_shared>> -> memref<64x128xf32, #tpu.memory_space<vmem_shared>>
          tpu.wait_dma2 semaphore(%run_scoped3A : memref<!tpu.dma_semaphore, #tpu.memory_space<semaphore_mem>>) src(%dma_wait3A_70 : memref<64x128xf32, #tpu.memory_space<vmem_shared>>) dst(%dma_wait3A_68 : memref<64x128xf32, #tpu.memory_space<hbm>>)
          tpu.yield
        }) : () -> ()
      } else {
      }
      %eq3A_57 = arith.constant 1 : i32
      %eq3A_58 = arith.cmpi eq, %arg0, %eq3A_57 : i32
      %convert_element_type3A_59 = arith.extui %eq3A_58 : i1 to i32
      %cond3A_60 = arith.constant 0 : i32
      %cond3A_61 = arith.cmpi ne, %convert_element_type3A_59, %cond3A_60 : i32
      scf.if %cond3A_61 {
        "tpu.region"() ({
          %run_scoped3A = tpu.sem_alloc : memref<!tpu.dma_semaphore, #tpu.memory_space<semaphore_mem>>
          %dma_start3A_63 = arith.constant 0 : i32
          %dma_start3A_64 = tpu.memref_slice %arg7[%multiple_of3A_51, %dma_start3A_63] : memref<10240x128xf32, #tpu.memory_space<hbm>> -> memref<64x128xf32, #tpu.memory_space<hbm>>
          %dma_start3A_65 = arith.constant 0 : i32
          %dma_start3A_66 = tpu.memref_slice %arg12[%multiple_of3A_51, %dma_start3A_65] : memref<10240x128xf32, #tpu.memory_space<vmem_shared>> -> memref<64x128xf32, #tpu.memory_space<vmem_shared>>
          tpu.enqueue_dma source(%dma_start3A_66 : memref<64x128xf32, #tpu.memory_space<vmem_shared>>) target(%dma_start3A_64 : memref<64x128xf32, #tpu.memory_space<hbm>>) target_semaphore(%run_scoped3A : memref<!tpu.dma_semaphore, #tpu.memory_space<semaphore_mem>>)
          %dma_wait3A_67 = arith.constant 0 : i32
          %dma_wait3A_68 = tpu.memref_slice %arg7[%multiple_of3A_51, %dma_wait3A_67] : memref<10240x128xf32, #tpu.memory_space<hbm>> -> memref<64x128xf32, #tpu.memory_space<hbm>>
          %dma_wait3A_69 = arith.constant 0 : i32
          %dma_wait3A_70 = tpu.memref_slice %arg12[%multiple_of3A_51, %dma_wait3A_69] : memref<10240x128xf32, #tpu.memory_space<vmem_shared>> -> memref<64x128xf32, #tpu.memory_space<vmem_shared>>
          tpu.wait_dma2 semaphore(%run_scoped3A : memref<!tpu.dma_semaphore, #tpu.memory_space<semaphore_mem>>) src(%dma_wait3A_70 : memref<64x128xf32, #tpu.memory_space<vmem_shared>>) dst(%dma_wait3A_68 : memref<64x128xf32, #tpu.memory_space<hbm>>)
          tpu.yield
        }) : () -> ()
      } else {
      }
      %scan3A_62 = arith.constant 0 : i32
      scf.yield %scan3A_62 : i32
    }
    %scan3A_46 = arith.constant 10 : i32
    return
  }
}

#map = affine_map<(d0, d1) -> (0, 0)>
#map1 = affine_map<(d0, d1) -> (0)>
module attributes {stable_mosaic.version = 14 : i64} {
  func.func @_degree_kernel(%arg0: i32, %arg1: i32, %arg2: memref<2560x64xi32, #tpu.memory_space<hbm>>, %arg3: memref<2560x64xi32, #tpu.memory_space<hbm>>, %arg4: memref<10240xf32, #tpu.memory_space<hbm>>, %arg5: memref<10240xf32, #tpu.memory_space<hbm>>, %arg6: memref<10240xf32, #tpu.memory_space<hbm>>, %arg7: memref<10240xf32, #tpu.memory_space<hbm>>, %arg8: memref<80x64xi32, #tpu.memory_space<vmem>>, %arg9: memref<80x64xi32, #tpu.memory_space<vmem>>, %arg10: memref<64xf32, #tpu.memory_space<vmem>>, %arg11: memref<640xf32, #tpu.memory_space<vmem>>, %arg12: memref<10240xf32, #tpu.memory_space<vmem_shared>>, %arg13: memref<10240xf32, #tpu.memory_space<vmem_shared>>, %arg14: memref<!tpu.dma_semaphore, #tpu.memory_space<semaphore_mem>>, %arg15: memref<!tpu.dma_semaphore, #tpu.memory_space<semaphore_mem>>) attributes {dimension_semantics = [#tpu.dimension_semantics<core_parallel>, #tpu.dimension_semantics<subcore_parallel>], iteration_bounds = array<i64: 2, 16>, scalar_prefetch = 0 : i64, scratch_operands = 8 : i64, tpu.core_type = #tpu.core_type<sc_vector_subcore>, window_params = [{transform_indices = #map}, {transform_indices = #map}, {transform_indices = #map1}, {transform_indices = #map1}, {transform_indices = #map1}, {transform_indices = #map1}]} {
    %broadcast_in_dim3A = arith.constant 0.000000e+00 : f32
    %broadcast_in_dim3A_0 = vector.broadcast %broadcast_in_dim3A : f32 to vector<16xf32>
    %broadcast_in_dim3A_1 = arith.constant 1.000000e+00 : f32
    %broadcast_in_dim3A_2 = vector.broadcast %broadcast_in_dim3A_1 : f32 to vector<16xf32>
    %scan3A = arith.constant 0 : i32
    %scan3A_3 = arith.constant 0 : i32
    %scan3A_4 = arith.constant 4 : i32
    %scan3A_5 = arith.addi %scan3A_3, %scan3A_4 : i32
    %scan3A_6 = arith.constant 1 : i32
    %scan3A_7 = scf.for %scan3A_43 = %scan3A_3 to %scan3A_5 step %scan3A_6 iter_args(%scan3A_44 = %scan3A) -> (i32)  : i32 {
      %mul3A_45 = arith.constant 16 : i32
      %mul3A_46 = arith.muli %scan3A_43, %mul3A_45 : i32
      %swap3A = arith.index_cast %mul3A_46 : i32 to index
      %swap3A_47 = tpu.vector_load %arg10[%swap3A] {strides = array<i32>} : memref<64xf32, #tpu.memory_space<vmem>>, vector<16xf32>,
      %swap3A_48 = vector.shape_cast %swap3A_47 : vector<16xf32> to vector<16xf32>
      %swap3A_49 = vector.shape_cast %broadcast_in_dim3A_2 : vector<16xf32> to vector<16xf32>
      tpu.vector_store %arg10[%swap3A], %swap3A_49 {strides = array<i32>} : memref<64xf32, #tpu.memory_space<vmem>>, vector<16xf32>,
      %scan3A_50 = arith.constant 0 : i32
      scf.yield %scan3A_50 : i32
    }
    %scan3A_8 = arith.constant 4 : i32
    %scan3A_9 = arith.constant 0 : i32
    %scan3A_10 = arith.constant 0 : i32
    %scan3A_11 = arith.constant 40 : i32
    %scan3A_12 = arith.addi %scan3A_10, %scan3A_11 : i32
    %scan3A_13 = arith.constant 1 : i32
    %scan3A_14 = scf.for %scan3A_43 = %scan3A_10 to %scan3A_12 step %scan3A_13 iter_args(%scan3A_44 = %scan3A_9) -> (i32)  : i32 {
      %mul3A_45 = arith.constant 16 : i32
      %mul3A_46 = arith.muli %scan3A_43, %mul3A_45 : i32
      %swap3A = arith.index_cast %mul3A_46 : i32 to index
      %swap3A_47 = tpu.vector_load %arg11[%swap3A] {strides = array<i32>} : memref<640xf32, #tpu.memory_space<vmem>>, vector<16xf32>,
      %swap3A_48 = vector.shape_cast %swap3A_47 : vector<16xf32> to vector<16xf32>
      %swap3A_49 = vector.shape_cast %broadcast_in_dim3A_0 : vector<16xf32> to vector<16xf32>
      tpu.vector_store %arg11[%swap3A], %swap3A_49 {strides = array<i32>} : memref<640xf32, #tpu.memory_space<vmem>>, vector<16xf32>,
      %scan3A_50 = arith.constant 0 : i32
      scf.yield %scan3A_50 : i32
    }
    %scan3A_15 = arith.constant 40 : i32
    %mul3A = arith.constant 640 : i32
    %mul3A_16 = arith.muli %arg1, %mul3A : i32
    %multiple_of3A = tpu.assume_multiple %mul3A_16, 8 : i32
    "tpu.region"() ({
      %run_scoped3A = tpu.sem_alloc : memref<!tpu.dma_semaphore, #tpu.memory_space<semaphore_mem>>
      %dma_start3A = tpu.memref_slice %arg12[%multiple_of3A] : memref<10240xf32, #tpu.memory_space<vmem_shared>> -> memref<640xf32, #tpu.memory_space<vmem_shared>>
      %dma_start3A_43 = tpu.memref_slice %arg12[%multiple_of3A] : memref<10240xf32, #tpu.memory_space<vmem_shared>> -> memref<640xf32, #tpu.memory_space<vmem_shared>>
      tpu.enqueue_dma source(%arg11 : memref<640xf32, #tpu.memory_space<vmem>>) target(%dma_start3A_43 : memref<640xf32, #tpu.memory_space<vmem_shared>>) target_semaphore(%run_scoped3A : memref<!tpu.dma_semaphore, #tpu.memory_space<semaphore_mem>>)
      %dma_wait3A = tpu.memref_slice %arg12[%multiple_of3A] : memref<10240xf32, #tpu.memory_space<vmem_shared>> -> memref<640xf32, #tpu.memory_space<vmem_shared>>
      %dma_wait3A_44 = tpu.memref_slice %arg12[%multiple_of3A] : memref<10240xf32, #tpu.memory_space<vmem_shared>> -> memref<640xf32, #tpu.memory_space<vmem_shared>>
      tpu.wait_dma2 semaphore(%run_scoped3A : memref<!tpu.dma_semaphore, #tpu.memory_space<semaphore_mem>>) src(%arg11 : memref<640xf32, #tpu.memory_space<vmem>>) dst(%dma_wait3A_44 : memref<640xf32, #tpu.memory_space<vmem_shared>>)
      tpu.yield
    }) : () -> ()
    "tpu.region"() ({
      %run_scoped3A = tpu.sem_alloc : memref<!tpu.dma_semaphore, #tpu.memory_space<semaphore_mem>>
      %dma_start3A = tpu.memref_slice %arg13[%multiple_of3A] : memref<10240xf32, #tpu.memory_space<vmem_shared>> -> memref<640xf32, #tpu.memory_space<vmem_shared>>
      %dma_start3A_43 = tpu.memref_slice %arg13[%multiple_of3A] : memref<10240xf32, #tpu.memory_space<vmem_shared>> -> memref<640xf32, #tpu.memory_space<vmem_shared>>
      tpu.enqueue_dma source(%arg11 : memref<640xf32, #tpu.memory_space<vmem>>) target(%dma_start3A_43 : memref<640xf32, #tpu.memory_space<vmem_shared>>) target_semaphore(%run_scoped3A : memref<!tpu.dma_semaphore, #tpu.memory_space<semaphore_mem>>)
      %dma_wait3A = tpu.memref_slice %arg13[%multiple_of3A] : memref<10240xf32, #tpu.memory_space<vmem_shared>> -> memref<640xf32, #tpu.memory_space<vmem_shared>>
      %dma_wait3A_44 = tpu.memref_slice %arg13[%multiple_of3A] : memref<10240xf32, #tpu.memory_space<vmem_shared>> -> memref<640xf32, #tpu.memory_space<vmem_shared>>
      tpu.wait_dma2 semaphore(%run_scoped3A : memref<!tpu.dma_semaphore, #tpu.memory_space<semaphore_mem>>) src(%arg11 : memref<640xf32, #tpu.memory_space<vmem>>) dst(%dma_wait3A_44 : memref<640xf32, #tpu.memory_space<vmem_shared>>)
      tpu.yield
    }) : () -> ()
    %mul3A_17 = arith.constant 16 : i32
    %mul3A_18 = arith.muli %arg0, %mul3A_17 : i32
    %add3A = arith.addi %mul3A_18, %arg1 : i32
    %mul3A_19 = arith.constant 80 : i32
    %mul3A_20 = arith.muli %add3A, %mul3A_19 : i32
    "tpu.region"() ({
      %run_scoped3A = tpu.sem_alloc : memref<!tpu.dma_semaphore, #tpu.memory_space<semaphore_mem>>
      %dma_start3A = arith.constant 0 : i32
      %dma_start3A_43 = tpu.memref_slice %arg2[%mul3A_20, %dma_start3A] : memref<2560x64xi32, #tpu.memory_space<hbm>> -> memref<80x64xi32, #tpu.memory_space<hbm>>
      %dma_start3A_44 = arith.constant 0 : i32
      %dma_start3A_45 = tpu.memref_slice %arg2[%mul3A_20, %dma_start3A_44] : memref<2560x64xi32, #tpu.memory_space<hbm>> -> memref<80x64xi32, #tpu.memory_space<hbm>>
      tpu.enqueue_dma source(%dma_start3A_45 : memref<80x64xi32, #tpu.memory_space<hbm>>) target(%arg8 : memref<80x64xi32, #tpu.memory_space<vmem>>) target_semaphore(%run_scoped3A : memref<!tpu.dma_semaphore, #tpu.memory_space<semaphore_mem>>)
      %dma_wait3A = arith.constant 0 : i32
      %dma_wait3A_46 = tpu.memref_slice %arg2[%mul3A_20, %dma_wait3A] : memref<2560x64xi32, #tpu.memory_space<hbm>> -> memref<80x64xi32, #tpu.memory_space<hbm>>
      %dma_wait3A_47 = arith.constant 0 : i32
      %dma_wait3A_48 = tpu.memref_slice %arg2[%mul3A_20, %dma_wait3A_47] : memref<2560x64xi32, #tpu.memory_space<hbm>> -> memref<80x64xi32, #tpu.memory_space<hbm>>
      tpu.wait_dma2 semaphore(%run_scoped3A : memref<!tpu.dma_semaphore, #tpu.memory_space<semaphore_mem>>) src(%dma_wait3A_48 : memref<80x64xi32, #tpu.memory_space<hbm>>) dst(%arg8 : memref<80x64xi32, #tpu.memory_space<vmem>>)
      tpu.yield
    }) : () -> ()
    "tpu.region"() ({
      %run_scoped3A = tpu.sem_alloc : memref<!tpu.dma_semaphore, #tpu.memory_space<semaphore_mem>>
      %dma_start3A = arith.constant 0 : i32
      %dma_start3A_43 = tpu.memref_slice %arg3[%mul3A_20, %dma_start3A] : memref<2560x64xi32, #tpu.memory_space<hbm>> -> memref<80x64xi32, #tpu.memory_space<hbm>>
      %dma_start3A_44 = arith.constant 0 : i32
      %dma_start3A_45 = tpu.memref_slice %arg3[%mul3A_20, %dma_start3A_44] : memref<2560x64xi32, #tpu.memory_space<hbm>> -> memref<80x64xi32, #tpu.memory_space<hbm>>
      tpu.enqueue_dma source(%dma_start3A_45 : memref<80x64xi32, #tpu.memory_space<hbm>>) target(%arg9 : memref<80x64xi32, #tpu.memory_space<vmem>>) target_semaphore(%run_scoped3A : memref<!tpu.dma_semaphore, #tpu.memory_space<semaphore_mem>>)
      %dma_wait3A = arith.constant 0 : i32
      %dma_wait3A_46 = tpu.memref_slice %arg3[%mul3A_20, %dma_wait3A] : memref<2560x64xi32, #tpu.memory_space<hbm>> -> memref<80x64xi32, #tpu.memory_space<hbm>>
      %dma_wait3A_47 = arith.constant 0 : i32
      %dma_wait3A_48 = tpu.memref_slice %arg3[%mul3A_20, %dma_wait3A_47] : memref<2560x64xi32, #tpu.memory_space<hbm>> -> memref<80x64xi32, #tpu.memory_space<hbm>>
      tpu.wait_dma2 semaphore(%run_scoped3A : memref<!tpu.dma_semaphore, #tpu.memory_space<semaphore_mem>>) src(%dma_wait3A_48 : memref<80x64xi32, #tpu.memory_space<hbm>>) dst(%arg9 : memref<80x64xi32, #tpu.memory_space<vmem>>)
      tpu.yield
    }) : () -> ()
    %barrier3A = arith.constant 0 : index
    tpu.barrier barrier_id(%barrier3A)
    %scan3A_21 = arith.constant 0 : i32
    %scan3A_22 = arith.constant 0 : i32
    %scan3A_23 = arith.constant 80 : i32
    %scan3A_24 = arith.addi %scan3A_22, %scan3A_23 : i32
    %scan3A_25 = arith.constant 1 : i32
    %scan3A_26 = scf.for %scan3A_43 = %scan3A_22 to %scan3A_24 step %scan3A_25 iter_args(%scan3A_44 = %scan3A_21) -> (i32)  : i32 {
      %dma_start3A = arith.constant 0 : i32
      %dma_start3A_45 = tpu.memref_slice %arg8[%scan3A_43, %dma_start3A] : memref<80x64xi32, #tpu.memory_space<vmem>> -> memref<1x64xi32, #tpu.memory_space<vmem>>
      %dma_start3A_46 = tpu.memref_squeeze %dma_start3A_45 : memref<1x64xi32, #tpu.memory_space<vmem>> -> memref<64xi32, #tpu.memory_space<vmem>>
      %dma_start3A_47 = arith.constant 0 : i32
      %dma_start3A_48 = tpu.memref_slice %arg12[%dma_start3A_47] : memref<10240xf32, #tpu.memory_space<vmem_shared>> -> memref<10240xf32, #tpu.memory_space<vmem_shared>>
      tpu.enqueue_indirect_dma source(%arg10 : memref<64xf32, #tpu.memory_space<vmem>>) target(%dma_start3A_48 : memref<10240xf32, #tpu.memory_space<vmem_shared>>) offsets(%dma_start3A_46 : memref<64xi32, #tpu.memory_space<vmem>>) semaphore(%arg14 : memref<!tpu.dma_semaphore, #tpu.memory_space<semaphore_mem>>) {add = true}
      %dma_start3A_49 = arith.constant 0 : i32
      %dma_start3A_50 = tpu.memref_slice %arg9[%scan3A_43, %dma_start3A_49] : memref<80x64xi32, #tpu.memory_space<vmem>> -> memref<1x64xi32, #tpu.memory_space<vmem>>
      %dma_start3A_51 = tpu.memref_squeeze %dma_start3A_50 : memref<1x64xi32, #tpu.memory_space<vmem>> -> memref<64xi32, #tpu.memory_space<vmem>>
      %dma_start3A_52 = arith.constant 0 : i32
      %dma_start3A_53 = tpu.memref_slice %arg13[%dma_start3A_52] : memref<10240xf32, #tpu.memory_space<vmem_shared>> -> memref<10240xf32, #tpu.memory_space<vmem_shared>>
      tpu.enqueue_indirect_dma source(%arg10 : memref<64xf32, #tpu.memory_space<vmem>>) target(%dma_start3A_53 : memref<10240xf32, #tpu.memory_space<vmem_shared>>) offsets(%dma_start3A_51 : memref<64xi32, #tpu.memory_space<vmem>>) semaphore(%arg15 : memref<!tpu.dma_semaphore, #tpu.memory_space<semaphore_mem>>) {add = true}
      %scan3A_54 = arith.constant 0 : i32
      scf.yield %scan3A_54 : i32
    }
    %scan3A_27 = arith.constant 80 : i32
    %scan3A_28 = arith.constant 0 : i32
    %scan3A_29 = arith.constant 0 : i32
    %scan3A_30 = arith.constant 80 : i32
    %scan3A_31 = arith.addi %scan3A_29, %scan3A_30 : i32
    %scan3A_32 = arith.constant 1 : i32
    %scan3A_33 = scf.for %scan3A_43 = %scan3A_29 to %scan3A_31 step %scan3A_32 iter_args(%scan3A_44 = %scan3A_28) -> (i32)  : i32 {
      %dma_wait3A = arith.constant 0 : i32
      %dma_wait3A_45 = tpu.memref_slice %arg8[%scan3A_43, %dma_wait3A] : memref<80x64xi32, #tpu.memory_space<vmem>> -> memref<1x64xi32, #tpu.memory_space<vmem>>
      %dma_wait3A_46 = tpu.memref_squeeze %dma_wait3A_45 : memref<1x64xi32, #tpu.memory_space<vmem>> -> memref<64xi32, #tpu.memory_space<vmem>>
      %dma_wait3A_47 = arith.constant 0 : i32
      %dma_wait3A_48 = tpu.memref_slice %arg12[%dma_wait3A_47] : memref<10240xf32, #tpu.memory_space<vmem_shared>> -> memref<10240xf32, #tpu.memory_space<vmem_shared>>
      tpu.wait_indirect_dma semaphore(%arg14 : memref<!tpu.dma_semaphore, #tpu.memory_space<semaphore_mem>>) src(%arg10 : memref<64xf32, #tpu.memory_space<vmem>>) dst(%dma_wait3A_48 : memref<10240xf32, #tpu.memory_space<vmem_shared>>)
      %dma_wait3A_49 = arith.constant 0 : i32
      %dma_wait3A_50 = tpu.memref_slice %arg9[%scan3A_43, %dma_wait3A_49] : memref<80x64xi32, #tpu.memory_space<vmem>> -> memref<1x64xi32, #tpu.memory_space<vmem>>
      %dma_wait3A_51 = tpu.memref_squeeze %dma_wait3A_50 : memref<1x64xi32, #tpu.memory_space<vmem>> -> memref<64xi32, #tpu.memory_space<vmem>>
      %dma_wait3A_52 = arith.constant 0 : i32
      %dma_wait3A_53 = tpu.memref_slice %arg13[%dma_wait3A_52] : memref<10240xf32, #tpu.memory_space<vmem_shared>> -> memref<10240xf32, #tpu.memory_space<vmem_shared>>
      tpu.wait_indirect_dma semaphore(%arg15 : memref<!tpu.dma_semaphore, #tpu.memory_space<semaphore_mem>>) src(%arg10 : memref<64xf32, #tpu.memory_space<vmem>>) dst(%dma_wait3A_53 : memref<10240xf32, #tpu.memory_space<vmem_shared>>)
      %scan3A_54 = arith.constant 0 : i32
      scf.yield %scan3A_54 : i32
    }
    %scan3A_34 = arith.constant 80 : i32
    %barrier3A_35 = arith.constant 0 : index
    tpu.barrier barrier_id(%barrier3A_35)
    %eq3A = arith.constant 0 : i32
    %eq3A_36 = arith.cmpi eq, %arg0, %eq3A : i32
    %convert_element_type3A = arith.extui %eq3A_36 : i1 to i32
    %cond3A = arith.constant 0 : i32
    %cond3A_37 = arith.cmpi ne, %convert_element_type3A, %cond3A : i32
    scf.if %cond3A_37 {
      "tpu.region"() ({
        %run_scoped3A = tpu.sem_alloc : memref<!tpu.dma_semaphore, #tpu.memory_space<semaphore_mem>>
        %dma_start3A = tpu.memref_slice %arg4[%multiple_of3A] : memref<10240xf32, #tpu.memory_space<hbm>> -> memref<640xf32, #tpu.memory_space<hbm>>
        %dma_start3A_43 = tpu.memref_slice %arg12[%multiple_of3A] : memref<10240xf32, #tpu.memory_space<vmem_shared>> -> memref<640xf32, #tpu.memory_space<vmem_shared>>
        tpu.enqueue_dma source(%dma_start3A_43 : memref<640xf32, #tpu.memory_space<vmem_shared>>) target(%dma_start3A : memref<640xf32, #tpu.memory_space<hbm>>) target_semaphore(%run_scoped3A : memref<!tpu.dma_semaphore, #tpu.memory_space<semaphore_mem>>)
        %dma_wait3A = tpu.memref_slice %arg4[%multiple_of3A] : memref<10240xf32, #tpu.memory_space<hbm>> -> memref<640xf32, #tpu.memory_space<hbm>>
        %dma_wait3A_44 = tpu.memref_slice %arg12[%multiple_of3A] : memref<10240xf32, #tpu.memory_space<vmem_shared>> -> memref<640xf32, #tpu.memory_space<vmem_shared>>
        tpu.wait_dma2 semaphore(%run_scoped3A : memref<!tpu.dma_semaphore, #tpu.memory_space<semaphore_mem>>) src(%dma_wait3A_44 : memref<640xf32, #tpu.memory_space<vmem_shared>>) dst(%dma_wait3A : memref<640xf32, #tpu.memory_space<hbm>>)
        tpu.yield
      }) : () -> ()
      "tpu.region"() ({
        %run_scoped3A = tpu.sem_alloc : memref<!tpu.dma_semaphore, #tpu.memory_space<semaphore_mem>>
        %dma_start3A = tpu.memref_slice %arg5[%multiple_of3A] : memref<10240xf32, #tpu.memory_space<hbm>> -> memref<640xf32, #tpu.memory_space<hbm>>
        %dma_start3A_43 = tpu.memref_slice %arg13[%multiple_of3A] : memref<10240xf32, #tpu.memory_space<vmem_shared>> -> memref<640xf32, #tpu.memory_space<vmem_shared>>
        tpu.enqueue_dma source(%dma_start3A_43 : memref<640xf32, #tpu.memory_space<vmem_shared>>) target(%dma_start3A : memref<640xf32, #tpu.memory_space<hbm>>) target_semaphore(%run_scoped3A : memref<!tpu.dma_semaphore, #tpu.memory_space<semaphore_mem>>)
        %dma_wait3A = tpu.memref_slice %arg5[%multiple_of3A] : memref<10240xf32, #tpu.memory_space<hbm>> -> memref<640xf32, #tpu.memory_space<hbm>>
        %dma_wait3A_44 = tpu.memref_slice %arg13[%multiple_of3A] : memref<10240xf32, #tpu.memory_space<vmem_shared>> -> memref<640xf32, #tpu.memory_space<vmem_shared>>
        tpu.wait_dma2 semaphore(%run_scoped3A : memref<!tpu.dma_semaphore, #tpu.memory_space<semaphore_mem>>) src(%dma_wait3A_44 : memref<640xf32, #tpu.memory_space<vmem_shared>>) dst(%dma_wait3A : memref<640xf32, #tpu.memory_space<hbm>>)
        tpu.yield
      }) : () -> ()
    } else {
    }
    %eq3A_38 = arith.constant 1 : i32
    %eq3A_39 = arith.cmpi eq, %arg0, %eq3A_38 : i32
    %convert_element_type3A_40 = arith.extui %eq3A_39 : i1 to i32
    %cond3A_41 = arith.constant 0 : i32
    %cond3A_42 = arith.cmpi ne, %convert_element_type3A_40, %cond3A_41 : i32
    scf.if %cond3A_42 {
      "tpu.region"() ({
        %run_scoped3A = tpu.sem_alloc : memref<!tpu.dma_semaphore, #tpu.memory_space<semaphore_mem>>
        %dma_start3A = tpu.memref_slice %arg6[%multiple_of3A] : memref<10240xf32, #tpu.memory_space<hbm>> -> memref<640xf32, #tpu.memory_space<hbm>>
        %dma_start3A_43 = tpu.memref_slice %arg12[%multiple_of3A] : memref<10240xf32, #tpu.memory_space<vmem_shared>> -> memref<640xf32, #tpu.memory_space<vmem_shared>>
        tpu.enqueue_dma source(%dma_start3A_43 : memref<640xf32, #tpu.memory_space<vmem_shared>>) target(%dma_start3A : memref<640xf32, #tpu.memory_space<hbm>>) target_semaphore(%run_scoped3A : memref<!tpu.dma_semaphore, #tpu.memory_space<semaphore_mem>>)
        %dma_wait3A = tpu.memref_slice %arg6[%multiple_of3A] : memref<10240xf32, #tpu.memory_space<hbm>> -> memref<640xf32, #tpu.memory_space<hbm>>
        %dma_wait3A_44 = tpu.memref_slice %arg12[%multiple_of3A] : memref<10240xf32, #tpu.memory_space<vmem_shared>> -> memref<640xf32, #tpu.memory_space<vmem_shared>>
        tpu.wait_dma2 semaphore(%run_scoped3A : memref<!tpu.dma_semaphore, #tpu.memory_space<semaphore_mem>>) src(%dma_wait3A_44 : memref<640xf32, #tpu.memory_space<vmem_shared>>) dst(%dma_wait3A : memref<640xf32, #tpu.memory_space<hbm>>)
        tpu.yield
      }) : () -> ()
      "tpu.region"() ({
        %run_scoped3A = tpu.sem_alloc : memref<!tpu.dma_semaphore, #tpu.memory_space<semaphore_mem>>
        %dma_start3A = tpu.memref_slice %arg7[%multiple_of3A] : memref<10240xf32, #tpu.memory_space<hbm>> -> memref<640xf32, #tpu.memory_space<hbm>>
        %dma_start3A_43 = tpu.memref_slice %arg13[%multiple_of3A] : memref<10240xf32, #tpu.memory_space<vmem_shared>> -> memref<640xf32, #tpu.memory_space<vmem_shared>>
        tpu.enqueue_dma source(%dma_start3A_43 : memref<640xf32, #tpu.memory_space<vmem_shared>>) target(%dma_start3A : memref<640xf32, #tpu.memory_space<hbm>>) target_semaphore(%run_scoped3A : memref<!tpu.dma_semaphore, #tpu.memory_space<semaphore_mem>>)
        %dma_wait3A = tpu.memref_slice %arg7[%multiple_of3A] : memref<10240xf32, #tpu.memory_space<hbm>> -> memref<640xf32, #tpu.memory_space<hbm>>
        %dma_wait3A_44 = tpu.memref_slice %arg13[%multiple_of3A] : memref<10240xf32, #tpu.memory_space<vmem_shared>> -> memref<640xf32, #tpu.memory_space<vmem_shared>>
        tpu.wait_dma2 semaphore(%run_scoped3A : memref<!tpu.dma_semaphore, #tpu.memory_space<semaphore_mem>>) src(%dma_wait3A_44 : memref<640xf32, #tpu.memory_space<vmem_shared>>) dst(%dma_wait3A : memref<640xf32, #tpu.memory_space<hbm>>)
        tpu.yield
      }) : () -> ()
    } else {
    }
    return
  }
}

module attributes {stable_mosaic.version = 14 : i64} {
  func.func @_prescale_body(%arg0: i32, %arg1: memref<1280x256xf32, #tpu.memory_space<vmem>>, %arg2: memref<1280x1xf32, #tpu.memory_space<vmem>>, %arg3: memref<1280x1xf32, #tpu.memory_space<vmem>>, %arg4: memref<1280x128xf32, #tpu.memory_space<vmem>>, %arg5: memref<1280x128xf32, #tpu.memory_space<vmem>>) attributes {dimension_semantics = [#tpu.dimension_semantics<arbitrary>], iteration_bounds = array<i64: 8>, scalar_prefetch = 0 : i64, scratch_operands = 0 : i64, tpu.core_type = #tpu.core_type<tc>, window_params = [{transform_indices = @transform_0, window_bounds = array<i64: 1280, 256>}, {transform_indices = @transform_1, window_bounds = array<i64: 1280, 1>}, {transform_indices = @transform_2, window_bounds = array<i64: 1280, 1>}, {transform_indices = @transform_3, window_bounds = array<i64: 1280, 128>}, {transform_indices = @transform_4, window_bounds = array<i64: 1280, 128>}]} {
    %get3A = arith.constant 0 : index
    %get3A_0 = arith.constant 0 : index
    %get3A_1 = vector.load %arg2[%get3A, %get3A_0] : memref<1280x1xf32, #tpu.memory_space<vmem>>, vector<1280x1xf32>
    %get3A_2 = arith.constant 0 : index
    %get3A_3 = arith.constant 0 : index
    %get3A_4 = vector.load %arg3[%get3A_2, %get3A_3] : memref<1280x1xf32, #tpu.memory_space<vmem>>, vector<1280x1xf32>
    %add3A = arith.addf %get3A_1, %get3A_4 : vector<1280x1xf32>
    %max3A = arith.constant 1.000000e+00 : f32
    %max3A_5 = vector.broadcast %max3A : f32 to vector<1280x1xf32>
    %max3A_6 = arith.maximumf %add3A, %max3A_5 : vector<1280x1xf32>
    %rsqrt3A = math.rsqrt %max3A_6 : vector<1280x1xf32>
    %get3A_7 = arith.constant 0 : index
    %get3A_8 = arith.constant 0 : index
    %get3A_9 = vector.load %arg1[%get3A_7, %get3A_8] : memref<1280x256xf32, #tpu.memory_space<vmem>>, vector<1280x256xf32>
    %mul3A = vector.broadcast %rsqrt3A : vector<1280x1xf32> to vector<1280x256xf32>
    %mul3A_10 = arith.mulf %get3A_9, %mul3A : vector<1280x256xf32>
    %slice3A = vector.extract_strided_slice %mul3A_10 {offsets = [0, 0], sizes = [1280, 128], strides = [1, 1]} : vector<1280x256xf32> to vector<1280x128xf32>
    %swap3A = arith.constant 0 : index
    %swap3A_11 = arith.constant 0 : index
    %swap3A_12 = vector.load %arg4[%swap3A, %swap3A_11] : memref<1280x128xf32, #tpu.memory_space<vmem>>, vector<1280x128xf32>
    tpu.vector_store %arg4[%swap3A, %swap3A_11], %slice3A {strides = array<i32>} : memref<1280x128xf32, #tpu.memory_space<vmem>>, vector<1280x128xf32>,
    %slice3A_13 = vector.extract_strided_slice %mul3A_10 {offsets = [0, 128], sizes = [1280, 128], strides = [1, 1]} : vector<1280x256xf32> to vector<1280x128xf32>
    %swap3A_14 = arith.constant 0 : index
    %swap3A_15 = arith.constant 0 : index
    %swap3A_16 = vector.load %arg5[%swap3A_14, %swap3A_15] : memref<1280x128xf32, #tpu.memory_space<vmem>>, vector<1280x128xf32>
    tpu.vector_store %arg5[%swap3A_14, %swap3A_15], %slice3A_13 {strides = array<i32>} : memref<1280x128xf32, #tpu.memory_space<vmem>>, vector<1280x128xf32>,
    return
  }
  func.func @transform_0(%arg0: i32) -> (i32, i32) {
    %c0_i32 = arith.constant 0 : i32
    %c0_i32_0 = arith.constant 0 : i32
    return %arg0, %c0_i32 : i32, i32
  }
  func.func @transform_1(%arg0: i32) -> (i32, i32) {
    %c0_i32 = arith.constant 0 : i32
    %c0_i32_0 = arith.constant 0 : i32
    return %arg0, %c0_i32 : i32, i32
  }
  func.func @transform_2(%arg0: i32) -> (i32, i32) {
    %c0_i32 = arith.constant 0 : i32
    %c0_i32_0 = arith.constant 0 : i32
    return %arg0, %c0_i32 : i32, i32
  }
  func.func @transform_3(%arg0: i32) -> (i32, i32) {
    %c0_i32 = arith.constant 0 : i32
    %c0_i32_0 = arith.constant 0 : i32
    return %arg0, %c0_i32 : i32, i32
  }
  func.func @transform_4(%arg0: i32) -> (i32, i32) {
    %c0_i32 = arith.constant 0 : i32
    %c0_i32_0 = arith.constant 0 : i32
    return %arg0, %c0_i32 : i32, i32
  }
}

module attributes {stable_mosaic.version = 14 : i64} {
  func.func @_mlp_body(%arg0: i32, %arg1: memref<1280x128xf32, #tpu.memory_space<vmem>>, %arg2: memref<1280x128xf32, #tpu.memory_space<vmem>>, %arg3: memref<1280x1xf32, #tpu.memory_space<vmem>>, %arg4: memref<1280x1xf32, #tpu.memory_space<vmem>>, %arg5: memref<256x256xf32, #tpu.memory_space<vmem>>, %arg6: memref<1x256xf32, #tpu.memory_space<vmem>>, %arg7: memref<256x64xf32, #tpu.memory_space<vmem>>, %arg8: memref<1x64xf32, #tpu.memory_space<vmem>>, %arg9: memref<1280x64xf32, #tpu.memory_space<vmem>>) attributes {dimension_semantics = [#tpu.dimension_semantics<arbitrary>], iteration_bounds = array<i64: 8>, scalar_prefetch = 0 : i64, scratch_operands = 0 : i64, tpu.core_type = #tpu.core_type<tc>, window_params = [{transform_indices = @transform_0, window_bounds = array<i64: 1280, 128>}, {transform_indices = @transform_1, window_bounds = array<i64: 1280, 128>}, {transform_indices = @transform_2, window_bounds = array<i64: 1280, 1>}, {transform_indices = @transform_3, window_bounds = array<i64: 1280, 1>}, {pipeline_mode = #tpu.pipeline_mode<synchronous>, transform_indices = @transform_4, window_bounds = array<i64: 256, 256>}, {pipeline_mode = #tpu.pipeline_mode<synchronous>, transform_indices = @transform_5, window_bounds = array<i64: 1, 256>}, {pipeline_mode = #tpu.pipeline_mode<synchronous>, transform_indices = @transform_6, window_bounds = array<i64: 256, 64>}, {pipeline_mode = #tpu.pipeline_mode<synchronous>, transform_indices = @transform_7, window_bounds = array<i64: 1, 64>}, {transform_indices = @transform_8, window_bounds = array<i64: 1280, 64>}]} {
    %get3A = arith.constant 0 : index
    %get3A_0 = arith.constant 0 : index
    %get3A_1 = vector.load %arg3[%get3A, %get3A_0] : memref<1280x1xf32, #tpu.memory_space<vmem>>, vector<1280x1xf32>
    %get3A_2 = arith.constant 0 : index
    %get3A_3 = arith.constant 0 : index
    %get3A_4 = vector.load %arg4[%get3A_2, %get3A_3] : memref<1280x1xf32, #tpu.memory_space<vmem>>, vector<1280x1xf32>
    %add3A = arith.addf %get3A_1, %get3A_4 : vector<1280x1xf32>
    %max3A = arith.constant 1.000000e+00 : f32
    %max3A_5 = vector.broadcast %max3A : f32 to vector<1280x1xf32>
    %max3A_6 = arith.maximumf %add3A, %max3A_5 : vector<1280x1xf32>
    %rsqrt3A = math.rsqrt %max3A_6 : vector<1280x1xf32>
    %get3A_7 = arith.constant 0 : index
    %get3A_8 = arith.constant 0 : index
    %get3A_9 = vector.load %arg1[%get3A_7, %get3A_8] : memref<1280x128xf32, #tpu.memory_space<vmem>>, vector<1280x128xf32>
    %get3A_10 = arith.constant 0 : index
    %get3A_11 = arith.constant 0 : index
    %get3A_12 = vector.load %arg2[%get3A_10, %get3A_11] : memref<1280x128xf32, #tpu.memory_space<vmem>>, vector<1280x128xf32>
    %concatenate3A = tpu.concatenate %get3A_9, %get3A_12 in 1 : vector<1280x128xf32>, vector<1280x128xf32> -> vector<1280x256xf32>
    %mul3A = vector.broadcast %rsqrt3A : vector<1280x1xf32> to vector<1280x256xf32>
    %mul3A_13 = arith.mulf %concatenate3A, %mul3A : vector<1280x256xf32>
    %get3A_14 = arith.constant 0 : index
    %get3A_15 = arith.constant 0 : index
    %get3A_16 = vector.load %arg5[%get3A_14, %get3A_15] : memref<256x256xf32, #tpu.memory_space<vmem>>, vector<256x256xf32>
    %dot_general3A = arith.constant dense<0.000000e+00> : vector<1280x256xf32>
    %dot_general3A_17 = tpu.matmul %mul3A_13, %get3A_16, %dot_general3A {dimension_numbers = #tpu.dot_dimension_numbers<[1], [0], [0], [1], [0, 0, 1, 1], [], []>, transpose_lhs_hint = false} : vector<1280x256xf32>, vector<256x256xf32>, vector<1280x256xf32> -> vector<1280x256xf32>
    %get3A_18 = arith.constant 0 : index
    %get3A_19 = arith.constant 0 : index
    %get3A_20 = vector.load %arg6[%get3A_18, %get3A_19] : memref<1x256xf32, #tpu.memory_space<vmem>>, vector<1x256xf32>
    %add3A_21 = vector.broadcast %get3A_20 : vector<1x256xf32> to vector<1280x256xf32>
    %add3A_22 = arith.addf %dot_general3A_17, %add3A_21 : vector<1280x256xf32>
    %max3A_23 = arith.constant 0.000000e+00 : f32
    %max3A_24 = vector.broadcast %max3A_23 : f32 to vector<1280x256xf32>
    %max3A_25 = arith.maximumf %add3A_22, %max3A_24 : vector<1280x256xf32>
    %get3A_26 = arith.constant 0 : index
    %get3A_27 = arith.constant 0 : index
    %get3A_28 = vector.load %arg7[%get3A_26, %get3A_27] : memref<256x64xf32, #tpu.memory_space<vmem>>, vector<256x64xf32>
    %dot_general3A_29 = arith.constant dense<0.000000e+00> : vector<1280x64xf32>
    %dot_general3A_30 = tpu.matmul %max3A_25, %get3A_28, %dot_general3A_29 {dimension_numbers = #tpu.dot_dimension_numbers<[1], [0], [0], [1], [0, 0, 1, 1], [], []>, transpose_lhs_hint = false} : vector<1280x256xf32>, vector<256x64xf32>, vector<1280x64xf32> -> vector<1280x64xf32>
    %get3A_31 = arith.constant 0 : index
    %get3A_32 = arith.constant 0 : index
    %get3A_33 = vector.load %arg8[%get3A_31, %get3A_32] : memref<1x64xf32, #tpu.memory_space<vmem>>, vector<1x64xf32>
    %add3A_34 = vector.broadcast %get3A_33 : vector<1x64xf32> to vector<1280x64xf32>
    %add3A_35 = arith.addf %dot_general3A_30, %add3A_34 : vector<1280x64xf32>
    %swap3A = arith.constant 0 : index
    %swap3A_36 = arith.constant 0 : index
    %swap3A_37 = vector.load %arg9[%swap3A, %swap3A_36] : memref<1280x64xf32, #tpu.memory_space<vmem>>, vector<1280x64xf32>
    tpu.vector_store %arg9[%swap3A, %swap3A_36], %add3A_35 {strides = array<i32>} : memref<1280x64xf32, #tpu.memory_space<vmem>>, vector<1280x64xf32>,
    return
  }
  func.func @transform_0(%arg0: i32) -> (i32, i32) {
    %c0_i32 = arith.constant 0 : i32
    %c0_i32_0 = arith.constant 0 : i32
    return %arg0, %c0_i32 : i32, i32
  }
  func.func @transform_1(%arg0: i32) -> (i32, i32) {
    %c0_i32 = arith.constant 0 : i32
    %c0_i32_0 = arith.constant 0 : i32
    return %arg0, %c0_i32 : i32, i32
  }
  func.func @transform_2(%arg0: i32) -> (i32, i32) {
    %c0_i32 = arith.constant 0 : i32
    %c0_i32_0 = arith.constant 0 : i32
    return %arg0, %c0_i32 : i32, i32
  }
  func.func @transform_3(%arg0: i32) -> (i32, i32) {
    %c0_i32 = arith.constant 0 : i32
    %c0_i32_0 = arith.constant 0 : i32
    return %arg0, %c0_i32 : i32, i32
  }
  func.func @transform_4(%arg0: i32) -> (i32, i32) {
    %c0_i32 = arith.constant 0 : i32
    %c0_i32_0 = arith.constant 0 : i32
    %c0_i32_1 = arith.constant 0 : i32
    return %c0_i32, %c0_i32_0 : i32, i32
  }
  func.func @transform_5(%arg0: i32) -> (i32, i32) {
    %c0_i32 = arith.constant 0 : i32
    %c0_i32_0 = arith.constant 0 : i32
    %c0_i32_1 = arith.constant 0 : i32
    return %c0_i32, %c0_i32_0 : i32, i32
  }
  func.func @transform_6(%arg0: i32) -> (i32, i32) {
    %c0_i32 = arith.constant 0 : i32
    %c0_i32_0 = arith.constant 0 : i32
    %c0_i32_1 = arith.constant 0 : i32
    return %c0_i32, %c0_i32_0 : i32, i32
  }
  func.func @transform_7(%arg0: i32) -> (i32, i32) {
    %c0_i32 = arith.constant 0 : i32
    %c0_i32_0 = arith.constant 0 : i32
    %c0_i32_1 = arith.constant 0 : i32
    return %c0_i32, %c0_i32_0 : i32, i32
  }
  func.func @transform_8(%arg0: i32) -> (i32, i32) {
    %c0_i32 = arith.constant 0 : i32
    %c0_i32_0 = arith.constant 0 : i32
    return %arg0, %c0_i32 : i32, i32
  }
}

</mosaic_0001>

<sc_bundles>
// kernel: kernel.6.cloned.1.call-start
scs
__scs_entry_jumppad:
0x0: {  	(pc) =	sbr.rel $0x88, $3  }
0x1: {  	(tag) =	ssettag $0x0;
	lr =	simm.s32 $0x1  }
0x2: {  	[smem:$0x3F9B] =	sst lr;
	_ =	strace $0xD0000000  }
0x3: {  	_ = 	snop  }
0x4: {  	_ = 	snop  }
0x5: {  	_ = 	snop  }
0x6: {  	_ = 	snop  }
0x7: {  	_ = 	snop  }
__scs_overlays_trampoline_lowered:
0x8: {  	[smem:$0x3FAA] =	sst s0  }
0x9: {  	[smem:$0x3FAB] =	sst s1  }
0xa: {  	[smem:$0x3FAC] =	sst s2  }
0xb: {  	[smem:$0x3FAD] =	sst s3  }
0xc: {  	[smem:$0x3FAE] =	sst s4  }
0xd: {  	[smem:$0x3FAF] =	sst s5  }
0xe: {  	[smem:$0x3FB0] =	sst s6  }
0xf: {  	[smem:$0x3FB1] =	sst s7  }
0x10: {  	[smem:$0x3FB2] =	sst s8  }
0x11: {  	[smem:$0x3FB3] =	sst s9;
	s0 =	simm.s32 @!p0 $0x0  }
0x12: {  	s1 =	sld [smem:$0x3F99];
	s0 =	simm.s32 @p0 $0x1  }
0x13: {  	[smem:$0x3FB4] =	sst s0;
	s0 =	simm.s32 @!p1 $0x0  }
0x14: {  	s2 =	sld [smem:$0x3F98];
	s0 =	simm.s32 @p1 $0x1  }
0x15: {  	[smem:$0x3FB5] =	sst s0;
	s0 =	simm.s32 @!p2 $0x0  }
0x16: {  	s3 =	sld [smem:$0x3FDB];
	s0 =	simm.s32 @p2 $0x1  }
0x17: {  	s4 =	simm.s32 $0x1BF5;
	[smem:$0x3FB7] =	sst s0  }
0x18: {  	s0 =	sld [smem:$0x3F9A];
	_ =	swait.ge [sflag:s4], $0x0  }
0x19: {  	s7 =	sld [smem:$0x3F9B]  }
0x1a: {  	s8 =	sadd.s32 $0xFFFFE003, lr  }
0x1b: {  	s9 =	sadd.s32 $0xFFFFFEF7, lr;
	s5 =	simm.s32 $0xFFFFFFFF;
	p2 =	slt.u32 s8, $0xFFFFF086  }
0x1c: {  	p1 =	slt.u32 s9, $0xF7A;
	s5 =	simm.s32 @!p2 $0x0  }
0x1d: {  	s5 =	simm.s32 @p1 $0x1;
	p0 =	seq.s32 s7, s2  }
0x1e: {  	s7 =	smul.u32 @!p0 $0xF7A, s2;
	p2 =	seq.s32 @!p0 s5, $0x0  }
0x1f: {  	s9 =	smul.u32 $0xF7A, s1;
	s8 =	simm.s32 @!p0 $0x1BF5;
	p2 =	por !p2, p0  }
0x20: {  	[sflag:s8] =	ssyncset.s32 @!p0 $0xFFFFF086;
	s6 =	sadd.s32 @!p0 s3, s7;
	s7 =	simm.s32 @!p0 $0x108  }
0x21: {  	s3 =	sadd.s32 s3, s9;
	s6 =	sadd.s32 @!p0 $0x88, s6;
	s7 =	simm.s32 @p2 $0x1082  }
0x22: {  	[simem:s7], [sflag:s8] =	dma.local @!p0 [hbm:s6], $0xF7A  }
0x23: {  	s9 =	sor.u32 $0xD0000000, s2;
	s6 =	simm.s32 $0x108;
	_ =	swait.ge @!p0 [sflag:s8], $0x0  }
0x24: {  	s3 =	sadd.s32 $0x88, s3;
	s6 =	simm.s32 @!p1 $0x1082;
	[sflag:s4] =	ssyncset.s32 $0xFFFFF086  }
0x25: {  	[simem:s6], [sflag:s4] =	dma.local [hbm:s3], $0xF7A  }
0x26: {  	[smem:$0x3F9B] =	sst s1;
	(tag) =	ssettag s2;
	_ =	strace s9  }
0x27: {  	s1 =	sld [smem:$0x3FAB]  }
0x28: {  	s2 =	sld [smem:$0x3FAC]  }
0x29: {  	s4 =	sld [smem:$0x3FAE]  }
0x2a: {  	p0 =	seq.s32 s5, $0x0;
	s5 =	sld [smem:$0x3FAF]  }
0x2b: {  	s6 =	sld [smem:$0x3FB0]  }
0x2c: {  	s7 =	sld [smem:$0x3FB1]  }
0x2d: {  	s3 =	simm.s32 $0x108;
	s8 =	sld [smem:$0x3FB2]  }
0x2e: {  	s3 =	simm.s32 @!p0 $0x1082;
	s9 =	sld [smem:$0x3FB3]  }
0x2f: {  	lr =	sadd.s32 s0, s3;
	s0 =	sld [smem:$0x3FAA]  }
0x30: {  	s3 =	sld [smem:$0x3FAD]  }
0x31: {  	[smem:$0x3FB6] =	sst s10  }
0x32: {  	s10 =	sld [smem:$0x3FB4];
	_ =	sdelay $0x3  }
0x33: {  	p0 =	seq.s32 s10, $0x1;
	s10 =	sld [smem:$0x3FB6];
	_ =	sdelay $0x3  }
0x34: {  	[smem:$0x3FB6] =	sst s10  }
0x35: {  	s10 =	sld [smem:$0x3FB5];
	_ =	sdelay $0x3  }
0x36: {  	p1 =	seq.s32 s10, $0x1;
	s10 =	sld [smem:$0x3FB6];
	_ =	sdelay $0x3  }
0x37: {  	[smem:$0x3FB6] =	sst s10  }
0x38: {  	s10 =	sld [smem:$0x3FB7]  }
0x39: {  	_ = 	snop;
	(pc) =	sbr.ind lr, $3  }
0x3a: {  	_ = 	snop  }
0x3b: {  	_ = 	snop  }
0x3c: {  	p2 =	seq.s32 s10, $0x1;
	s10 =	sld [smem:$0x3FB6]  }
0x3d: {  	_ =	shalt  }
0x3e: {  	_ =	shalt  }
0x3f: {  	_ =	shalt  }
0x40: {  	_ =	shalt  }
0x41: {  	_ =	shalt  }
0x42: {  	_ =	shalt  }
0x43: {  	_ =	shalt  }
0x44: {  	_ =	shalt  }
0x45: {  	_ =	shalt  }
0x46: {  	_ =	shalt  }
0x47: {  	_ =	shalt  }
0x48: {  	_ =	shalt  }
0x49: {  	_ =	shalt  }
0x4a: {  	_ =	shalt  }
0x4b: {  	_ =	shalt  }
0x4c: {  	_ =	shalt  }
0x4d: {  	_ =	shalt  }
0x4e: {  	_ =	shalt  }
0x4f: {  	_ =	shalt  }
0x50: {  	_ =	shalt  }
0x51: {  	_ =	shalt  }
0x52: {  	_ =	shalt  }
0x53: {  	_ =	shalt  }
0x54: {  	_ =	shalt  }
0x55: {  	_ =	shalt  }
0x56: {  	_ =	shalt  }
0x57: {  	_ =	shalt  }
0x58: {  	_ =	shalt  }
0x59: {  	_ =	shalt  }
0x5a: {  	_ =	shalt  }
0x5b: {  	_ =	shalt  }
0x5c: {  	_ =	shalt  }
0x5d: {  	_ =	shalt  }
0x5e: {  	_ =	shalt  }
0x5f: {  	_ =	shalt  }
0x60: {  	_ =	shalt  }
0x61: {  	_ =	shalt  }
0x62: {  	_ =	shalt  }
0x63: {  	_ =	shalt  }
0x64: {  	_ =	shalt  }
0x65: {  	_ =	shalt  }
0x66: {  	_ =	shalt  }
0x67: {  	_ =	shalt  }
0x68: {  	_ =	shalt  }
0x69: {  	_ =	shalt  }
0x6a: {  	_ =	shalt  }
0x6b: {  	_ =	shalt  }
0x6c: {  	_ =	shalt  }
0x6d: {  	_ =	shalt  }
0x6e: {  	_ =	shalt  }
0x6f: {  	_ =	shalt  }
0x70: {  	_ =	shalt  }
0x71: {  	_ =	shalt  }
0x72: {  	_ =	shalt  }
0x73: {  	_ =	shalt  }
0x74: {  	_ =	shalt  }
0x75: {  	_ =	shalt  }
0x76: {  	_ =	shalt  }
0x77: {  	_ =	shalt  }
0x78: {  	_ =	shalt  }
0x79: {  	_ =	shalt  }
0x7a: {  	_ =	shalt  }
0x7b: {  	_ =	shalt  }
0x7c: {  	_ =	shalt  }
0x7d: {  	_ =	shalt  }
0x7e: {  	_ =	shalt  }
0x7f: {  	_ =	shalt  }
0x80: {  	_ =	shalt  }
0x81: {  	_ =	shalt  }
0x82: {  	_ =	shalt  }
0x83: {  	_ =	shalt  }
0x84: {  	_ =	shalt  }
0x85: {  	_ =	shalt  }
0x86: {  	_ =	shalt  }
0x87: {  	_ =	shalt  }
.Lfunc_end0:
.L_simem_size_0:
called_computation_lowered:
.L_overlay_start_0:
0x88: {  	s2 =	sld [smem:$0x3FD9]  }
0x89: {  	s3 =	sld [smem:$0x3FFE];
	_ =	sdelay $0x1  }
0x8a: {  	s1 =	srdreg.scid  }
0x8b: {  	s0 =	sand.u32 $0x1, s1  }
0x8c: {  	s17 =	sshll.u32 s0, $0xA;
	s2 =	sadd.s32 s3, s2  }
0x8d: {  	s2 =	sadd.s32 s2, s17  }
0x8e: {  	[smem:$0x3FC2] =	sst s2  }
0x8f: {  	_ = 	snop  }
0x90: {  	s2 =	sld [smem:$0x3FD0];
	(tm) =	ssettm $0x1  }
0x91: {  	s18 =	sld [smem:$0x3FFB];
	_ =	sdelay $0x3  }
0x92: {  	_ =	strace s18  }
0x93: {  	s3 =	sld [smem:$0x3FFC];
	_ =	sdelay $0x3  }
0x94: {  	_ =	strace s3  }
0x95: {  	s3 =	sld [smem:$0x3FFD];
	_ =	sdelay $0x3  }
0x96: {  	_ =	strace s3  }
0x97: {  	_ =	strace $0x8FFFFFFF  }
0x98: {  	s19 =	sld [smem:$0x3FDB];
	_ =	sdelay $0x1  }
0x99: {  	s4 =	simm.s32 $_scs_section_size  }
0x9a: {  	s5 =	simm.s32 $_size__tile_overlayer_lowered;
	s6 =	simm.s32 $_tile_overlayer_lowered  }
0x9b: {  	s22 =	simm.s32 $0x1BFF;
	s21 =	sshll.u32 s6, $0x1;
	s3 =	sadd.s32 s4, s19  }
0x9c: {  	s7 =	simm.s32 $0x0;
	s20 =	sshll.u32 s5, $0x1;
	s5 =	sadd.s32 s21, s3  }
0x9d: {  	[timem:s7], [sflag:s22] =	dma.local [hbm:s5], s20  }
0x9e: {  	_ =	swait.ge [sflag:s22], s20  }
0x9f: {  	s4 =	ssub.s32 $0x0, s20;
	[sflag:s22] =	ssyncset.done $0x0  }
0xa0: {  	[sflag:s22] =	ssyncadd.s32 s4;
	_ =	sdelay $0x1  }
0xa1: {  	s23 =	simm.s32 $0x1B8B  }
0xa2: {  	_ =	swait.ge [sflag:s23], $0x1  }
0xa3: {  	[sflag:s23] =	ssyncset.done $0x0  }
0xa4: {  	s25 =	simm.s32 $0x1B8E;
	s24 =	sld [smem:$0x3FFE];
	[sflag:s23] =	ssyncadd.s32 $0xFFFFFFFF  }
0xa5: {  	s26 =	simm.s32 $execute0_lowered;
	[smem:$0x3FD2] =	sst s25  }
0xa6: {  	s5 =	sshll.u32 s26, $0x1;
	_ =	strace $0x80000046;
	[dreg:$0x1] =	wrdreg $0xFFFFFFFF  }
0xa7: {  	s28 =	simm.s32 $_size_execute0_lowered;
	s3 =	sadd.s32 s3, s5;
	[dreg:$0x0] =	wrdreg $0x0  }
0xa8: {  	s5 =	sshll.u32 s28, $0x1;
	[dreg:$0x2] =	wrdreg s3  }
0xa9: {  	[dreg:$0x3] =	wrdreg s5  }
0xaa: {  	[dreg:$0x4] =	wrdreg $0xC0  }
0xab: {  	_ =	task [dreg:s7], $0x5FFFF  }
0xac: {  	[dreg:$0x1] =	wrdreg $0xFFFFFFFF  }
0xad: {  	[dreg:$0x0] =	wrdreg $0x60  }
0xae: {  	[dreg:$0x2] =	wrdreg s2  }
0xaf: {  	[dreg:$0x3] =	wrdreg s24  }
0xb0: {  	[dreg:$0x4] =	wrdreg $0x53000  }
0xb1: {  	[dreg:$0x5] =	wrdreg $0x55800  }
0xb2: {  	[dreg:$0x6] =	wrdreg $0x9  }
0xb3: {  	_ =	task.clear_ibuf [dreg:s7], $0x7FFFF;
	_ =	strace $0x90000046  }
0xb4: {  	s29 =	simm.s32 $0x9;
	_ =	strace $0x80000048  }
0xb5: {  	_ =	swait.ge [sflag:s29], $0x1  }
0xb6: {  	[sflag:s29] =	ssyncadd.s32 $0xFFFFFFFF  }
0xb7: {  	_ =	strace $0x90000048  }
0xb8: {  	_ =	sfence  }
0xb9: {  	s30 =	sld [smem:$0x0];
	_ =	sdelay $0x2  }
0xba: {  	s31 =	sshll.u32 s1, $0xD;
	s1 =	sshrl.u32 s1, $0x2  }
0xbb: {  	s3 =	sand.u32 $0x4000, s31;
	s1 =	sadd.s32 s1, s30  }
0xbc: {  	s0 =	sor.u32 s3, s0;
	s1 =	sshll.u32 s1, $0x11  }
0xbd: {  	s0 =	sor.u32 s1, s0  }
0xbe: {  	s0 =	sadd.s32 $0x8F2B, s0  }
0xbf: {  	[sflag:s0] =	ssyncadd.remote.s32 $0x1  }
0xc0: {  	_ =	sfence.sel $0xFFFF  }
0xc1: {  	[dreg:$0x0] =	wrdreg $0xFFFFFFFF;
	(pc) =	sbr.abs _section_cstart, $3  }
0xc2: {  	[dreg:$0x1] =	wrdreg $0xFFFFFFFF  }
0xc3: {  	_ =	task.clear_ibuf [dreg:s7], $0x2FFFF;
	_ =	strace $0x9FFFFFFF  }
0xc4: {  	(tm) =	ssettm $0x7FFFFFFF  }
0xc5: {  	_ =	shalt  }
tec
execute0_lowered:
.L_overlay_start_1:
0x0: {  	(tag) =	ssettag $0x1  }
0x1: {  	s7 =	rddreg [dreg:$0x0]  }
0x2: {  	s5 =	rddreg [dreg:$0x1]  }
0x3: {  	s2 =	rddreg [dreg:$0x2]  }
0x4: {  	s0 =	srdreg.scid;
	s3 =	rddreg [dreg:$0x3];
	s4 =	simm.s32 $0x0  }
0x5: {  	s17 =	simm.s32 $0x1;
	s18 =	simm.s32 $0x2;
	s19 =	simm.s32 $0x0  }
0x6: {  	s8 =	sand.u32 $0x1, s0;
	s0 =	stileid.u32;
	[smem:$0x7FF] =	sst s4  }
0x7: {  	s11 =	sadd.s32 $0x11400, s5;
	s13 =	sadd.s32 $0x12000, s5;
	s14 =	sadd.s32 $0x11A00, s5  }
0x8: {  	s16 =	sadd.s32 $0x12600, s5;
	s1 =	sshll.u32 s8, $0x4;
	s31 =	ssub.s32 $0x2, s8  }
0x9: {  	s12 =	smul.u32 $0x280, s0;
	p0 =	seq.s32 s8, $0x1;
	s6 =	sor.u32 s0, s1  }
0xa: {  	s1 =	rddreg [dreg:$0x4];
	_ =	strace $0x80000047;
	s15 =	sshrl.u32 s31, $0x1  }
0xb: {  	s11 =	smov.u32 @p0 s14;
	s13 =	smov.u32 @p0 s16;
	s9 =	smul.u32 $0x500, s6  }
0xc: {  	s14 =	simm.s32 $0x2800;
	s16 =	simm.s32 $0x5000;
	s15 =	ssub.s32 s31, s15  }
0xd: {  	s6 =	sadd.s32 s12, s3;
	s10 =	sadd.s32 s9, s5;
	s5 =	sadd.s32 s12, s2  }
0xe: {  	s7 =	sadd.s32 s7, s9;
	s12 =	sshrl.u32 s12, $0x3;
	s9 =	smax.u32 s15, $0x1  }
0xf: {  	s15 =	simm.s32 $0x40;
	s8 =	sadd.s32 $0x7400, s10;
	s10 =	sadd.s32 s11, s12  }
0x10: {  	v0 =	vimm.f32 $1.000000000e+00;
	v1 =	vimm.f32 $0.0e+00;
	s11 =	sadd.s32 s13, s12;
	s12 =	simm.s32 $0x5080;
	s13 =	simm.s32 $0x3  }
.LBB2_1:
0x11: {  	[tilespmem:$0x5000] =	vst v0  }
0x12: {  	[tilespmem:$0x5010] =	vst v0  }
0x13: {  	[tilespmem:$0x5020] =	vst v0  }
0x14: {  	[tilespmem:$0x5030] =	vst v0  }
0x15: {  	[tilespmem:$0x5080] =	vst v1  }
0x16: {  	[tilespmem:$0x5090] =	vst v1  }
0x17: {  	[tilespmem:$0x50A0] =	vst v1  }
0x18: {  	[tilespmem:$0x50B0] =	vst v1  }
0x19: {  	[tilespmem:$0x50C0] =	vst v1  }
0x1a: {  	[tilespmem:$0x50D0] =	vst v1  }
0x1b: {  	[tilespmem:$0x50E0] =	vst v1  }
0x1c: {  	[tilespmem:$0x50F0] =	vst v1  }
0x1d: {  	[tilespmem:$0x5100] =	vst v1  }
0x1e: {  	[tilespmem:$0x5110] =	vst v1  }
0x1f: {  	[tilespmem:$0x5120] =	vst v1  }
0x20: {  	[tilespmem:$0x5130] =	vst v1  }
0x21: {  	[tilespmem:$0x5140] =	vst v1  }
0x22: {  	[tilespmem:$0x5150] =	vst v1  }
0x23: {  	[tilespmem:$0x5160] =	vst v1  }
0x24: {  	[tilespmem:$0x5170] =	vst v1  }
0x25: {  	[tilespmem:$0x5180] =	vst v1  }
0x26: {  	[tilespmem:$0x5190] =	vst v1  }
0x27: {  	[tilespmem:$0x51A0] =	vst v1  }
0x28: {  	[tilespmem:$0x51B0] =	vst v1  }
0x29: {  	[tilespmem:$0x51C0] =	vst v1  }
0x2a: {  	[tilespmem:$0x51D0] =	vst v1  }
0x2b: {  	[tilespmem:$0x51E0] =	vst v1  }
0x2c: {  	[tilespmem:$0x51F0] =	vst v1  }
0x2d: {  	[tilespmem:$0x5200] =	vst v1  }
0x2e: {  	[tilespmem:$0x5210] =	vst v1  }
0x2f: {  	[tilespmem:$0x5220] =	vst v1  }
0x30: {  	[tilespmem:$0x5230] =	vst v1  }
0x31: {  	[tilespmem:$0x5240] =	vst v1  }
0x32: {  	[tilespmem:$0x5250] =	vst v1  }
0x33: {  	[tilespmem:$0x5260] =	vst v1  }
0x34: {  	[tilespmem:$0x5270] =	vst v1  }
0x35: {  	[tilespmem:$0x5280] =	vst v1  }
0x36: {  	[tilespmem:$0x5290] =	vst v1  }
0x37: {  	[tilespmem:$0x52A0] =	vst v1  }
0x38: {  	[tilespmem:$0x52B0] =	vst v1  }
0x39: {  	[tilespmem:$0x52C0] =	vst v1  }
0x3a: {  	[tilespmem:$0x52D0] =	vst v1  }
0x3b: {  	[tilespmem:$0x52E0] =	vst v1  }
0x3c: {  	[tilespmem:$0x52F0] =	vst v1  }
0x3d: {  	[spmem:s5] =	stream.linear.scatter [tilespmem:s12], [sflag:$0x3], $0x280, $0x38;
	[tilespmem:$0x5800] =	vst v63  }
0x3e: {  	_ =	swait.ge [sflag:s13], $0x280  }
0x3f: {  	[sflag:s13] =	ssyncset.done $0x0  }
0x40: {  	[sflag:s13] =	ssyncadd.s32 $0xFFFFFD80  }
0x41: {  	[spmem:s6] =	stream.linear.scatter [tilespmem:s12], [sflag:$0x3], $0x280, $0x38;
	[tilespmem:$0x5800] =	vst v63  }
0x42: {  	_ =	swait.ge [sflag:s13], $0x280  }
0x43: {  	[sflag:s13] =	ssyncset.done $0x0  }
0x44: {  	[sflag:s13] =	ssyncadd.s32 $0xFFFFFD80  }
0x45: {  	[tilespmem:s4], [sflag:$0x3] =	stream.linear.gather [hbm4b:s7+s4], $0x2800, $0x38;
	[tilespmem:$0x5800] =	vst v63  }
0x46: {  	_ =	swait.ge [sflag:s13], $0x2800  }
0x47: {  	[sflag:s13] =	ssyncset.done $0x0  }
0x48: {  	[sflag:s13] =	ssyncadd.s32 $0xFFFFD800  }
0x49: {  	[tilespmem:s14], [sflag:$0x3] =	stream.linear.gather [hbm4b:s8+s4], $0x2800, $0x38;
	[tilespmem:$0x5800] =	vst v63  }
0x4a: {  	_ =	swait.ge [sflag:s13], $0x2800  }
0x4b: {  	[sflag:s13] =	ssyncset.done $0x0  }
0x4c: {  	[sflag:s13] =	ssyncadd.s32 $0xFFFFD800  }
0x4d: {  	s20 =	simm.s32 $0x0;
	[bflag:$0x0] =	sbarrier.arrive $0xFFFF  }
0x4e: {  	[spmem:s2] =	stream.indirect.scatter.add.f32 [tilespmem:s16], [sflag:$0x1], $0x1, s20, s15, $0xb8;
	[tilespmem:$0x5800] =	vst v63  }
0x4f: {  	s21 =	simm.s32 $0x2800;
	s20 =	simm.s32 $0x200  }
.LBB2_2:
0x50: {  	[spmem:s3] =	stream.indirect.scatter.add.f32 [tilespmem:s16], [sflag:$0x2], $0x1, s21, s15, $0xb8;
	[tilespmem:$0x5800] =	vst v63  }
0x51: {  	s21 =	smov.u32 s20;
	p0 =	sne.s32 s20, $0x9E00  }
.Ltmp0:
0x52: {  	s20 =	sadd.s32 $0x200, s20;
	(pc) =	sbr.rel @p0 .LBB2_2-.Ltmp0, $4  }
0x53: {  	_ = 	snop  }
0x54: {  	s21 =	sshra.s32 s21, $0x2  }
0x55: {  	[spmem:s2] =	stream.indirect.scatter.add.f32 [tilespmem:s16], [sflag:$0x1], $0x1, s21, s15, $0xb8;
	[tilespmem:$0x5800] =	vst v63  }
0x56: {  	s21 =	sadd.s32 $0x2800, s21  }
0x57: {  	[spmem:s3] =	stream.indirect.scatter.add.f32 [tilespmem:s16], [sflag:$0x2], $0x1, s21, s15, $0xb8;
	[tilespmem:$0x5800] =	vst v63  }
0x58: {  	_ =	swait.ge [sflag:s17], $0x40  }
0x59: {  	[sflag:s17] =	ssyncset.done $0x0  }
0x5a: {  	[sflag:s17] =	ssyncadd.s32 $0xFFFFFFC0  }
0x5b: {  	_ =	swait.ge [sflag:s18], $0x40  }
0x5c: {  	s20 =	simm.s32 $0x4F;
	[sflag:s18] =	ssyncset.done $0x0  }
.LBB2_4:
0x5d: {  	p0 =	sne.s32 s20, $0x1;
	s20 =	sadd.s32 $0xFFFFFFFF, s20;
	[sflag:s18] =	ssyncadd.s32 $0xFFFFFFC0  }
.Ltmp1:
0x5e: {  	_ =	swait.ge [sflag:s17], $0x40;
	(pc) =	sbr.rel @p0 .LBB2_4-.Ltmp1, $4  }
0x5f: {  	[sflag:s17] =	ssyncset.done $0x0  }
0x60: {  	[sflag:s17] =	ssyncadd.s32 $0xFFFFFFC0  }
0x61: {  	_ =	swait.ge [sflag:s18], $0x40  }
0x62: {  	[sflag:s18] =	ssyncset.done $0x0  }
0x63: {  	[sflag:s18] =	ssyncadd.s32 $0xFFFFFFC0;
	s20 =	sshll.u32 s0, $0x6  }
0x64: {  	s21 =	sshrl.u32 s5, $0x3;
	[bflag:$0x0] =	sbarrier.arrive $0xFFFF;
	s20 =	sor.u32 $0x1C03, s20  }
0x65: {  	[hbm:s10], [sflag:s20] =	dma.local [spmem:s21], $0x50  }
0x66: {  	s19 =	sadd.s32 $0x1, s19;
	_ =	swait.ge [sflag:s13], $0x50  }
0x67: {  	p0 =	sne.s32 s19, s9;
	[sflag:s13] =	ssyncset.done $0x0  }
.Ltmp2:
0x68: {  	s31 =	sshrl.u32 s6, $0x3;
	[sflag:s13] =	ssyncadd.s32 $0xFFFFFFB0;
	(pc) =	sbr.rel @p0 .LBB2_1-.Ltmp2, $4  }
0x69: {  	[hbm:s11], [sflag:s20] =	dma.local [spmem:s31], $0x50  }
0x6a: {  	_ =	swait.ge [sflag:s13], $0x50  }
0x6b: {  	[sflag:s13] =	ssyncset.done $0x0  }
0x6c: {  	[sflag:s13] =	ssyncadd.s32 $0xFFFFFFB0  }
0x6d: {  	_ =	sfence.sel $0x180000  }
0x6e: {  	[bflag:$0x0] =	sbarrier.arrive $0xFFFF  }
0x6f: {  	p0 =	sne.s32 s0, $0x0;
	_ =	strace $0x90000047  }
0x70: {  	s0 =	sadd.s32 @!p0 $0x100000, s1;
	[bflag:$0x2] =	sbarrier.arrive $0xFFFF  }
0x71: {  	[sflag:s0] =	ssyncadd.tile.s32 @!p0 $0x1;
	_ =	shalt  }
.Lfunc_end2:
_tile_overlayer_lowered:
.L_overlay_start_2:
0x72: {  	(tag) =	ssettag $0x2  }
0x73: {  	s0 =	rddreg [dreg:$0x0];
	s2 =	stileid.u32  }
0x74: {  	s1 =	rddreg [dreg:$0x1];
	p0 =	sne.s32 s2, $0x0  }
0x75: {  	s3 =	rddreg [dreg:$0x2];
	[bflag:$0x3] =	sbarrier.arrive $0xFFFF;
	s2 =	simm.s32 @!p0 $0x1C03  }
0x76: {  	[timem:s3], [sflag:s2] =	dma.local @!p0 [hbm:s0], s1  }
0x77: {  	s0 =	simm.s32 @!p0 $0x3  }
0x78: {  	_ =	swait.ge @!p0 [sflag:s0], s1  }
0x79: {  	s1 =	ssub.s32 @!p0 $0x0, s1;
	[sflag:s0] =	ssyncset.done @!p0 $0x0  }
0x7a: {  	[sflag:s0] =	ssyncadd.s32 @!p0 s1  }
0x7b: {  	[bflag:$0x3] =	sbarrier.arrive $0xFFFF  }
0x7c: {  	_ =	shalt  }

// kernel: kernel.9.cloned.1.call-start
scs
__scs_entry_jumppad:
0x0: {  	(pc) =	sbr.rel $0x88, $3  }
0x1: {  	(tag) =	ssettag $0x0;
	lr =	simm.s32 $0x1  }
0x2: {  	[smem:$0x3F9B] =	sst lr;
	_ =	strace $0xD0000000  }
0x3: {  	_ = 	snop  }
0x4: {  	_ = 	snop  }
0x5: {  	_ = 	snop  }
0x6: {  	_ = 	snop  }
0x7: {  	_ = 	snop  }
__scs_overlays_trampoline_lowered:
0x8: {  	[smem:$0x3FAA] =	sst s0  }
0x9: {  	[smem:$0x3FAB] =	sst s1  }
0xa: {  	[smem:$0x3FAC] =	sst s2  }
0xb: {  	[smem:$0x3FAD] =	sst s3  }
0xc: {  	[smem:$0x3FAE] =	sst s4  }
0xd: {  	[smem:$0x3FAF] =	sst s5  }
0xe: {  	[smem:$0x3FB0] =	sst s6  }
0xf: {  	[smem:$0x3FB1] =	sst s7  }
0x10: {  	[smem:$0x3FB2] =	sst s8  }
0x11: {  	[smem:$0x3FB3] =	sst s9;
	s0 =	simm.s32 @!p0 $0x0  }
0x12: {  	s1 =	sld [smem:$0x3F99];
	s0 =	simm.s32 @p0 $0x1  }
0x13: {  	[smem:$0x3FB4] =	sst s0;
	s0 =	simm.s32 @!p1 $0x0  }
0x14: {  	s2 =	sld [smem:$0x3F98];
	s0 =	simm.s32 @p1 $0x1  }
0x15: {  	[smem:$0x3FB5] =	sst s0;
	s0 =	simm.s32 @!p2 $0x0  }
0x16: {  	s3 =	sld [smem:$0x3FDB];
	s0 =	simm.s32 @p2 $0x1  }
0x17: {  	s4 =	simm.s32 $0x1BF5;
	[smem:$0x3FB7] =	sst s0  }
0x18: {  	s0 =	sld [smem:$0x3F9A];
	_ =	swait.ge [sflag:s4], $0x0  }
0x19: {  	s7 =	sld [smem:$0x3F9B]  }
0x1a: {  	s8 =	sadd.s32 $0xFFFFE003, lr  }
0x1b: {  	s9 =	sadd.s32 $0xFFFFFEF7, lr;
	s5 =	simm.s32 $0xFFFFFFFF;
	p2 =	slt.u32 s8, $0xFFFFF086  }
0x1c: {  	p1 =	slt.u32 s9, $0xF7A;
	s5 =	simm.s32 @!p2 $0x0  }
0x1d: {  	s5 =	simm.s32 @p1 $0x1;
	p0 =	seq.s32 s7, s2  }
0x1e: {  	s7 =	smul.u32 @!p0 $0xF7A, s2;
	p2 =	seq.s32 @!p0 s5, $0x0  }
0x1f: {  	s9 =	smul.u32 $0xF7A, s1;
	s8 =	simm.s32 @!p0 $0x1BF5;
	p2 =	por !p2, p0  }
0x20: {  	[sflag:s8] =	ssyncset.s32 @!p0 $0xFFFFF086;
	s6 =	sadd.s32 @!p0 s3, s7;
	s7 =	simm.s32 @!p0 $0x108  }
0x21: {  	s3 =	sadd.s32 s3, s9;
	s6 =	sadd.s32 @!p0 $0x88, s6;
	s7 =	simm.s32 @p2 $0x1082  }
0x22: {  	[simem:s7], [sflag:s8] =	dma.local @!p0 [hbm:s6], $0xF7A  }
0x23: {  	s9 =	sor.u32 $0xD0000000, s2;
	s6 =	simm.s32 $0x108;
	_ =	swait.ge @!p0 [sflag:s8], $0x0  }
0x24: {  	s3 =	sadd.s32 $0x88, s3;
	s6 =	simm.s32 @!p1 $0x1082;
	[sflag:s4] =	ssyncset.s32 $0xFFFFF086  }
0x25: {  	[simem:s6], [sflag:s4] =	dma.local [hbm:s3], $0xF7A  }
0x26: {  	[smem:$0x3F9B] =	sst s1;
	(tag) =	ssettag s2;
	_ =	strace s9  }
0x27: {  	s1 =	sld [smem:$0x3FAB]  }
0x28: {  	s2 =	sld [smem:$0x3FAC]  }
0x29: {  	s4 =	sld [smem:$0x3FAE]  }
0x2a: {  	p0 =	seq.s32 s5, $0x0;
	s5 =	sld [smem:$0x3FAF]  }
0x2b: {  	s6 =	sld [smem:$0x3FB0]  }
0x2c: {  	s7 =	sld [smem:$0x3FB1]  }
0x2d: {  	s3 =	simm.s32 $0x108;
	s8 =	sld [smem:$0x3FB2]  }
0x2e: {  	s3 =	simm.s32 @!p0 $0x1082;
	s9 =	sld [smem:$0x3FB3]  }
0x2f: {  	lr =	sadd.s32 s0, s3;
	s0 =	sld [smem:$0x3FAA]  }
0x30: {  	s3 =	sld [smem:$0x3FAD]  }
0x31: {  	[smem:$0x3FB6] =	sst s10  }
0x32: {  	s10 =	sld [smem:$0x3FB4];
	_ =	sdelay $0x3  }
0x33: {  	p0 =	seq.s32 s10, $0x1;
	s10 =	sld [smem:$0x3FB6];
	_ =	sdelay $0x3  }
0x34: {  	[smem:$0x3FB6] =	sst s10  }
0x35: {  	s10 =	sld [smem:$0x3FB5];
	_ =	sdelay $0x3  }
0x36: {  	p1 =	seq.s32 s10, $0x1;
	s10 =	sld [smem:$0x3FB6];
	_ =	sdelay $0x3  }
0x37: {  	[smem:$0x3FB6] =	sst s10  }
0x38: {  	s10 =	sld [smem:$0x3FB7]  }
0x39: {  	_ = 	snop;
	(pc) =	sbr.ind lr, $3  }
0x3a: {  	_ = 	snop  }
0x3b: {  	_ = 	snop  }
0x3c: {  	p2 =	seq.s32 s10, $0x1;
	s10 =	sld [smem:$0x3FB6]  }
0x3d: {  	_ =	shalt  }
0x3e: {  	_ =	shalt  }
0x3f: {  	_ =	shalt  }
0x40: {  	_ =	shalt  }
0x41: {  	_ =	shalt  }
0x42: {  	_ =	shalt  }
0x43: {  	_ =	shalt  }
0x44: {  	_ =	shalt  }
0x45: {  	_ =	shalt  }
0x46: {  	_ =	shalt  }
0x47: {  	_ =	shalt  }
0x48: {  	_ =	shalt  }
0x49: {  	_ =	shalt  }
0x4a: {  	_ =	shalt  }
0x4b: {  	_ =	shalt  }
0x4c: {  	_ =	shalt  }
0x4d: {  	_ =	shalt  }
0x4e: {  	_ =	shalt  }
0x4f: {  	_ =	shalt  }
0x50: {  	_ =	shalt  }
0x51: {  	_ =	shalt  }
0x52: {  	_ =	shalt  }
0x53: {  	_ =	shalt  }
0x54: {  	_ =	shalt  }
0x55: {  	_ =	shalt  }
0x56: {  	_ =	shalt  }
0x57: {  	_ =	shalt  }
0x58: {  	_ =	shalt  }
0x59: {  	_ =	shalt  }
0x5a: {  	_ =	shalt  }
0x5b: {  	_ =	shalt  }
0x5c: {  	_ =	shalt  }
0x5d: {  	_ =	shalt  }
0x5e: {  	_ =	shalt  }
0x5f: {  	_ =	shalt  }
0x60: {  	_ =	shalt  }
0x61: {  	_ =	shalt  }
0x62: {  	_ =	shalt  }
0x63: {  	_ =	shalt  }
0x64: {  	_ =	shalt  }
0x65: {  	_ =	shalt  }
0x66: {  	_ =	shalt  }
0x67: {  	_ =	shalt  }
0x68: {  	_ =	shalt  }
0x69: {  	_ =	shalt  }
0x6a: {  	_ =	shalt  }
0x6b: {  	_ =	shalt  }
0x6c: {  	_ =	shalt  }
0x6d: {  	_ =	shalt  }
0x6e: {  	_ =	shalt  }
0x6f: {  	_ =	shalt  }
0x70: {  	_ =	shalt  }
0x71: {  	_ =	shalt  }
0x72: {  	_ =	shalt  }
0x73: {  	_ =	shalt  }
0x74: {  	_ =	shalt  }
0x75: {  	_ =	shalt  }
0x76: {  	_ =	shalt  }
0x77: {  	_ =	shalt  }
0x78: {  	_ =	shalt  }
0x79: {  	_ =	shalt  }
0x7a: {  	_ =	shalt  }
0x7b: {  	_ =	shalt  }
0x7c: {  	_ =	shalt  }
0x7d: {  	_ =	shalt  }
0x7e: {  	_ =	shalt  }
0x7f: {  	_ =	shalt  }
0x80: {  	_ =	shalt  }
0x81: {  	_ =	shalt  }
0x82: {  	_ =	shalt  }
0x83: {  	_ =	shalt  }
0x84: {  	_ =	shalt  }
0x85: {  	_ =	shalt  }
0x86: {  	_ =	shalt  }
0x87: {  	_ =	shalt  }
.Lfunc_end0:
.L_simem_size_0:
called_computation.1_lowered:
.L_overlay_start_0:
0x88: {  	s2 =	sld [smem:$0x3FD9]  }
0x89: {  	s3 =	sld [smem:$0x3FFE];
	_ =	sdelay $0x1  }
0x8a: {  	s1 =	srdreg.scid  }
0x8b: {  	s0 =	sand.u32 $0x1, s1  }
0x8c: {  	s16 =	sshll.u32 s0, $0xA;
	s2 =	sadd.s32 s3, s2  }
0x8d: {  	s2 =	sadd.s32 s2, s16  }
0x8e: {  	[smem:$0x3FC2] =	sst s2  }
0x8f: {  	_ = 	snop  }
0x90: {  	(tm) =	ssettm $0x1  }
0x91: {  	s17 =	sld [smem:$0x3FFB];
	_ =	sdelay $0x3  }
0x92: {  	_ =	strace s17  }
0x93: {  	s2 =	sld [smem:$0x3FFC];
	_ =	sdelay $0x3  }
0x94: {  	_ =	strace s2  }
0x95: {  	s2 =	sld [smem:$0x3FFD];
	_ =	sdelay $0x3  }
0x96: {  	_ =	strace s2  }
0x97: {  	_ =	strace $0x8FFFFFFF  }
0x98: {  	s18 =	sld [smem:$0x3FDB];
	_ =	sdelay $0x1  }
0x99: {  	s19 =	simm.s32 $_scs_section_size  }
0x9a: {  	s4 =	simm.s32 $_size__tile_overlayer_lowered;
	s5 =	simm.s32 $_tile_overlayer_lowered  }
0x9b: {  	s22 =	simm.s32 $0x1BFF;
	s21 =	sshll.u32 s5, $0x1;
	s2 =	sadd.s32 s19, s18  }
0x9c: {  	s6 =	simm.s32 $0x0;
	s20 =	sshll.u32 s4, $0x1;
	s4 =	sadd.s32 s21, s2  }
0x9d: {  	[timem:s6], [sflag:s22] =	dma.local [hbm:s4], s20  }
0x9e: {  	_ =	swait.ge [sflag:s22], s20  }
0x9f: {  	s3 =	ssub.s32 $0x0, s20;
	[sflag:s22] =	ssyncset.done $0x0  }
0xa0: {  	[sflag:s22] =	ssyncadd.s32 s3;
	_ =	sdelay $0x1  }
0xa1: {  	s23 =	simm.s32 $0x1B8B  }
0xa2: {  	_ =	swait.ge [sflag:s23], $0x1  }
0xa3: {  	[sflag:s23] =	ssyncset.done $0x0  }
0xa4: {  	s25 =	simm.s32 $0x1B8E;
	s24 =	sld [smem:$0x3FFE];
	[sflag:s23] =	ssyncadd.s32 $0xFFFFFFFF  }
0xa5: {  	s26 =	simm.s32 $execute0_lowered;
	[smem:$0x3FD2] =	sst s25  }
0xa6: {  	s4 =	sshll.u32 s26, $0x1;
	_ =	strace $0x80000049;
	[dreg:$0x1] =	wrdreg $0xFFFFFFFF  }
0xa7: {  	s28 =	simm.s32 $_size_execute0_lowered;
	s2 =	sadd.s32 s2, s4;
	[dreg:$0x0] =	wrdreg $0x0  }
0xa8: {  	s4 =	sshll.u32 s28, $0x1;
	[dreg:$0x2] =	wrdreg s2  }
0xa9: {  	[dreg:$0x3] =	wrdreg s4  }
0xaa: {  	[dreg:$0x4] =	wrdreg $0xC0  }
0xab: {  	_ =	task [dreg:s6], $0x5FFFF  }
0xac: {  	[dreg:$0x1] =	wrdreg $0xFFFFFFFF  }
0xad: {  	[dreg:$0x0] =	wrdreg $0x60  }
0xae: {  	[dreg:$0x2] =	wrdreg s24  }
0xaf: {  	[dreg:$0x3] =	wrdreg $0xB8000  }
0xb0: {  	[dreg:$0x4] =	wrdreg $0x9  }
0xb1: {  	_ =	task.clear_ibuf [dreg:s6], $0x5FFFF;
	_ =	strace $0x90000049  }
0xb2: {  	s29 =	simm.s32 $0x9;
	_ =	strace $0x8000004B  }
0xb3: {  	_ =	swait.ge [sflag:s29], $0x1  }
0xb4: {  	[sflag:s29] =	ssyncadd.s32 $0xFFFFFFFF  }
0xb5: {  	_ =	strace $0x9000004B  }
0xb6: {  	_ =	sfence  }
0xb7: {  	s30 =	sld [smem:$0x0];
	_ =	sdelay $0x2  }
0xb8: {  	s31 =	sshll.u32 s1, $0xD;
	s1 =	sshrl.u32 s1, $0x2  }
0xb9: {  	s3 =	sand.u32 $0x4000, s31;
	s1 =	sadd.s32 s1, s30  }
0xba: {  	s0 =	sor.u32 s3, s0;
	s1 =	sshll.u32 s1, $0x11  }
0xbb: {  	s0 =	sor.u32 s1, s0  }
0xbc: {  	s0 =	sadd.s32 $0x8F2B, s0  }
0xbd: {  	[sflag:s0] =	ssyncadd.remote.s32 $0x1  }
0xbe: {  	_ =	sfence.sel $0xFFFF  }
0xbf: {  	[dreg:$0x0] =	wrdreg $0xFFFFFFFF;
	(pc) =	sbr.abs _section_cstart, $3  }
0xc0: {  	[dreg:$0x1] =	wrdreg $0xFFFFFFFF  }
0xc1: {  	_ =	task.clear_ibuf [dreg:s6], $0x2FFFF;
	_ =	strace $0x9FFFFFFF  }
0xc2: {  	(tm) =	ssettm $0x7FFFFFFF  }
0xc3: {  	_ =	shalt  }
tec
execute0_lowered:
.L_overlay_start_1:
0x0: {  	(tag) =	ssettag $0x1  }
0x1: {  	s0 =	rddreg [dreg:$0x0]  }
0x2: {  	s2 =	rddreg [dreg:$0x1];
	s3 =	simm.s32 $0x0;
	s1 =	stileid.u32  }
0x3: {  	s7 =	srdreg.scid;
	s28 =	simm.s32 $0x2;
	s29 =	simm.s32 $0x40  }
0x4: {  	s30 =	simm.s32 $0x9800;
	s31 =	simm.s32 $0x0;
	s19 =	smul.u32 $0x500, s1  }
0x5: {  	[smem:$0x7FF] =	sst s3;
	s6 =	smul.u32 $0xA00, s1;
	s4 =	sadd.s32 $0x12C00, s0  }
0x6: {  	s5 =	sadd.s32 $0x3AC00, s0;
	s8 =	sand.u32 $0x1, s7;
	s10 =	smul.u32 $0x50000, s1  }
0x7: {  	s12 =	sadd.s32 $0x62C00, s0;
	s7 =	sadd.s32 $0x8AC00, s0;
	s11 =	smul.u32 $0x280, s1  }
0x8: {  	_ =	strace $0x8000004A;
	s9 =	ssub.s32 $0x2, s8;
	p0 =	sne.s32 s8, $0x0  }
0x9: {  	s3 =	sadd.s32 s19, s0;
	s6 =	sadd.s32 s6, s0;
	s20 =	sshrl.u32 s9, $0x1  }
0xa: {  	s21 =	sshrl.u32 s10, $0x2;
	s22 =	sor.u32 $0x40, s11;
	s24 =	sadd.s32 $0x80, s11  }
0xb: {  	s15 =	sadd.s32 $0xC0, s11;
	s13 =	sadd.s32 $0x100, s11;
	s16 =	sadd.s32 $0x140, s11  }
0xc: {  	s0 =	ssub.s32 s9, s20;
	s3 =	sadd.s32 $0x2400, s3;
	s6 =	sadd.s32 $0x7400, s6  }
0xd: {  	s10 =	sadd.s32 s21, s2;
	s23 =	sshll.u32 s22, $0x7;
	s25 =	sshll.u32 s24, $0x7  }
0xe: {  	s9 =	sshll.u32 s15, $0x7;
	s14 =	sshll.u32 s15, $0x4;
	[dreg:$0x3] =	wrdreg s3  }
0xf: {  	s15 =	sshll.u32 s13, $0x7;
	s17 =	sshll.u32 s13, $0x4;
	[dreg:$0x4] =	wrdreg s6  }
0x10: {  	s18 =	sshll.u32 s16, $0x7;
	s19 =	sshll.u32 s16, $0x4;
	[dreg:$0x9] =	wrdreg s14  }
0x11: {  	s20 =	sadd.s32 $0x180, s11;
	s0 =	smax.u32 s0, $0x1;
	[dreg:$0xb] =	wrdreg s19  }
0x12: {  	s3 =	sshll.u32 s22, $0x4;
	s26 =	sadd.s32 s25, s2;
	[dreg:$0x5] =	wrdreg s0  }
0x13: {  	s6 =	sshll.u32 s24, $0x4;
	s21 =	sshll.u32 s20, $0x7;
	[dreg:$0x6] =	wrdreg s3  }
0x14: {  	s22 =	sadd.s32 $0x1C0, s11;
	s20 =	sshll.u32 s20, $0x4;
	[dreg:$0x7] =	wrdreg s26  }
0x15: {  	s24 =	sadd.s32 $0x200, s11;
	s13 =	sadd.s32 $0x2000, s10;
	[dreg:$0x8] =	wrdreg s6  }
0x16: {  	s11 =	sadd.s32 $0x240, s11;
	s14 =	sadd.s32 $0x4000, s10;
	[dreg:$0x13] =	wrdreg s13  }
0x17: {  	s16 =	sadd.s32 $0x8000, s10;
	s0 =	sadd.s32 s23, s2;
	[dreg:$0x14] =	wrdreg s14  }
0x18: {  	s3 =	sadd.s32 s9, s2;
	s9 =	sadd.s32 s15, s2;
	[dreg:$0x16] =	wrdreg s16  }
0x19: {  	s6 =	sadd.s32 s18, s2;
	s8 =	sshll.u32 s22, $0x4;
	[dreg:$0xa] =	wrdreg s9  }
0x1a: {  	s18 =	sshll.u32 s11, $0x7;
	s11 =	sshll.u32 s11, $0x4;
	[dreg:$0xc] =	wrdreg s8  }
0x1b: {  	s19 =	sadd.s32 s21, s2;
	s15 =	sadd.s32 $0x6000, s10;
	[dreg:$0xd] =	wrdreg s11  }
0x1c: {  	s23 =	sshll.u32 s22, $0x7;
	s21 =	sadd.s32 $0xC000, s10;
	[dreg:$0x15] =	wrdreg s15  }
0x1d: {  	s25 =	sshll.u32 s24, $0x7;
	s0 =	sshrl.u32 s0, $0x3;
	[dreg:$0x18] =	wrdreg s21  }
0x1e: {  	s9 =	sadd.s32 s23, s2;
	s3 =	sshrl.u32 s3, $0x3;
	[dreg:$0xe] =	wrdreg s0  }
0x1f: {  	s22 =	sadd.s32 s25, s2;
	s6 =	sshrl.u32 s6, $0x3;
	[dreg:$0xf] =	wrdreg s3  }
0x20: {  	s26 =	sadd.s32 s18, s2;
	s18 =	sadd.s32 $0xA000, s10;
	[dreg:$0x10] =	wrdreg s6  }
0x21: {  	s23 =	sshll.u32 s24, $0x4;
	s24 =	sadd.s32 $0xE000, s10;
	[dreg:$0x17] =	wrdreg s18  }
.Ltmp0:
0x22: {  	s25 =	sadd.s32 $0x10000, s10;
	[dreg:$0x19] =	wrdreg s24;
	(pc) =	sbr.rel .LBB2_1-.Ltmp0, $4  }
0x23: {  	s13 =	stileid.u32;
	s9 =	sshrl.u32 s9, $0x3;
	[dreg:$0x1a] =	wrdreg s25  }
0x24: {  	s21 =	smul.u32 $0x2800, s1;
	s11 =	sshrl.u32 s26, $0x3;
	[dreg:$0x11] =	wrdreg s9  }
0x25: {  	s26 =	sadd.s32 $0x12000, s10;
	s24 =	simm.s32 $0x7800;
	[dreg:$0x12] =	wrdreg s11  }
0x26: {  	v0 =	vimm.f32 $0.0e+00;
	s25 =	simm.s32 $0x3;
	[dreg:$0x1b] =	wrdreg s26;
	s26 =	simm.s32 $0x1  }
.LBB2_9:
0x27: {  	s6 =	sadd.s32 $0xFFFFFFC0, s0;
	[sflag:s25] =	ssyncadd.s32 $0xFFFFE000  }
0x28: {  	[tilespmem:s30], [sflag:$0x2] =	stream.indirect.gather [hbm4b:s5+s29], $0x80, s6, s29, $0xb8;
	[tilespmem:$0x1F800] =	vst v63  }
0x29: {  	_ =	swait.ge [sflag:s26], $0x2000  }
0x2a: {  	s3 =	sshra.s32 s3, $0x2;
	[sflag:s26] =	ssyncset.done $0x0  }
0x2b: {  	s15 =	sadd.s32 $0x2800, s3;
	[sflag:s26] =	ssyncadd.s32 $0xFFFFE000  }
0x2c: {  	[spmem:s2] =	stream.indirect.scatter.add.f32 [tilespmem:s24], [sflag:$0x3], $0x80, s15, s29, $0xb8;
	[tilespmem:$0x1F800] =	vst v63  }
0x2d: {  	_ =	swait.ge [sflag:s25], $0x2000  }
0x2e: {  	[sflag:s25] =	ssyncset.done $0x0  }
0x2f: {  	[sflag:s25] =	ssyncadd.s32 $0xFFFFE000  }
0x30: {  	[tilespmem:s24], [sflag:$0x1] =	stream.indirect.gather [hbm4b:s5+s29], $0x80, s0, s29, $0xb8;
	[tilespmem:$0x1F800] =	vst v63  }
0x31: {  	_ =	swait.ge [sflag:s28], $0x2000  }
0x32: {  	[sflag:s28] =	ssyncset.done $0x0  }
0x33: {  	s16 =	sadd.s32 $0x2880, s3;
	[sflag:s28] =	ssyncadd.s32 $0xFFFFE000  }
0x34: {  	[spmem:s2] =	stream.indirect.scatter.add.f32 [tilespmem:s30], [sflag:$0x3], $0x80, s16, s29, $0xb8;
	[tilespmem:$0x1F800] =	vst v63  }
0x35: {  	_ =	swait.ge [sflag:s25], $0x2000  }
0x36: {  	[sflag:s25] =	ssyncset.done $0x0  }
0x37: {  	s18 =	simm.s32 $0x27C0;
	[sflag:s25] =	ssyncadd.s32 $0xFFFFE000  }
0x38: {  	[tilespmem:s30], [sflag:$0x2] =	stream.indirect.gather [hbm4b:s5+s29], $0x80, s18, s29, $0xb8;
	[tilespmem:$0x1F800] =	vst v63  }
.LBB2_10:
0x39: {  	_ =	swait.ge [sflag:s26], $0x2000  }
0x3a: {  	[sflag:s26] =	ssyncset.done $0x0  }
0x3b: {  	s0 =	simm.s32 $0x7700;
	[sflag:s26] =	ssyncadd.s32 $0xFFFFE000  }
0x3c: {  	[spmem:s2] =	stream.indirect.scatter.add.f32 [tilespmem:s24], [sflag:$0x3], $0x80, s0, s29, $0xb8;
	[tilespmem:$0x1F800] =	vst v63  }
0x3d: {  	_ =	swait.ge [sflag:s25], $0x2000  }
0x3e: {  	[sflag:s25] =	ssyncset.done $0x0  }
0x3f: {  	[sflag:s25] =	ssyncadd.s32 $0xFFFFE000  }
0x40: {  	_ =	swait.ge [sflag:s28], $0x2000  }
0x41: {  	[sflag:s28] =	ssyncset.done $0x0  }
0x42: {  	s16 =	simm.s32 $0x7780;
	[sflag:s28] =	ssyncadd.s32 $0xFFFFE000  }
0x43: {  	[spmem:s2] =	stream.indirect.scatter.add.f32 [tilespmem:s30], [sflag:$0x3], $0x80, s16, s29, $0xb8;
	[tilespmem:$0x1F800] =	vst v63  }
0x44: {  	_ =	swait.ge [sflag:s25], $0x2000  }
0x45: {  	s1 =	stileid.u32;
	[sflag:s25] =	ssyncset.done $0x0  }
0x46: {  	s3 =	sadd.s32 @p0 s7, s21;
	s0 =	sshll.u32 @p0 s1, $0x6;
	[sflag:s25] =	ssyncadd.s32 $0xFFFFE000  }
0x47: {  	s8 =	sor.u32 @p0 $0x1C03, s0;
	s0 =	sshrl.u32 @p0 s10, $0x3;
	[bflag:$0x0] =	sbarrier.arrive $0xFFFF  }
0x48: {  	[hbm:s3], [sflag:s8] =	dma.local @p0 [spmem:s0], $0x400  }
0x49: {  	s3 =	simm.s32 @p0 $0x3  }
0x4a: {  	s6 =	sadd.s32 @!p0 s12, s21;
	s9 =	simm.s32 @!p0 $0x4;
	_ =	swait.ge @p0 [sflag:s3], $0x400  }
0x4b: {  	s15 =	sshll.u32 s1, $0x6;
	s0 =	sshll.u32 @!p0 s1, $0x6;
	[sflag:s3] =	ssyncset.done @p0 $0x0  }
0x4c: {  	s11 =	sor.u32 @!p0 $0x1C04, s0;
	s0 =	sshrl.u32 @!p0 s10, $0x3;
	[sflag:s3] =	ssyncadd.s32 @p0 $0xFFFFFC00  }
0x4d: {  	[hbm:s6], [sflag:s11] =	dma.local @!p0 [spmem:s0], $0x400  }
0x4e: {  	s0 =	simm.s32 @!p0 $0x4;
	s6 =	smov.u32 s12;
	_ =	swait.ge @!p0 [sflag:s9], $0x400  }
0x4f: {  	s0 =	simm.s32 @p0 $0x3;
	s6 =	smov.u32 @p0 s7;
	s18 =	rddreg [dreg:$0x6]  }
0x50: {  	[sflag:s9] =	ssyncset.done @!p0 $0x0;
	s15 =	sadd.s32 s0, s15;
	s14 =	rddreg [dreg:$0xe]  }
0x51: {  	[sflag:s9] =	ssyncadd.s32 @!p0 $0xFFFFFC00;
	s18 =	sadd.s32 s6, s18;
	s15 =	sadd.s32 $0x1C00, s15  }
0x52: {  	[hbm:s18], [sflag:s15] =	dma.local [spmem:s14], $0x400  }
0x53: {  	_ =	swait.ge [sflag:s0], $0x400  }
0x54: {  	s16 =	rddreg [dreg:$0x8]  }
0x55: {  	[sflag:s0] =	ssyncset.done $0x0;
	s14 =	rddreg [dreg:$0x7]  }
0x56: {  	[sflag:s0] =	ssyncadd.s32 $0xFFFFFC00;
	s18 =	sadd.s32 @p0 s7, s16;
	s1 =	sshrl.u32 @p0 s14, $0x3  }
0x57: {  	[hbm:s18], [sflag:s8] =	dma.local @p0 [spmem:s1], $0x400  }
0x58: {  	_ =	swait.ge @p0 [sflag:s3], $0x400  }
0x59: {  	[sflag:s3] =	ssyncset.done @p0 $0x0  }
0x5a: {  	s1 =	sadd.s32 @!p0 s12, s16;
	s18 =	sshrl.u32 @!p0 s14, $0x3;
	[sflag:s3] =	ssyncadd.s32 @p0 $0xFFFFFC00  }
0x5b: {  	[hbm:s1], [sflag:s11] =	dma.local @!p0 [spmem:s18], $0x400  }
0x5c: {  	_ =	swait.ge @!p0 [sflag:s9], $0x400  }
0x5d: {  	[sflag:s9] =	ssyncset.done @!p0 $0x0;
	s16 =	rddreg [dreg:$0x9]  }
0x5e: {  	s18 =	rddreg [dreg:$0xf];
	[sflag:s9] =	ssyncadd.s32 @!p0 $0xFFFFFC00;
	s1 =	sadd.s32 s6, s16  }
0x5f: {  	[hbm:s1], [sflag:s15] =	dma.local [spmem:s18], $0x400  }
0x60: {  	_ =	swait.ge [sflag:s0], $0x400  }
0x61: {  	[sflag:s0] =	ssyncset.done $0x0;
	s14 =	rddreg [dreg:$0xa]  }
0x62: {  	s1 =	sadd.s32 @p0 s7, s17;
	[sflag:s0] =	ssyncadd.s32 $0xFFFFFC00;
	s18 =	sshrl.u32 @p0 s14, $0x3  }
0x63: {  	[hbm:s1], [sflag:s8] =	dma.local @p0 [spmem:s18], $0x400  }
0x64: {  	_ =	swait.ge @p0 [sflag:s3], $0x400  }
0x65: {  	[sflag:s3] =	ssyncset.done @p0 $0x0  }
0x66: {  	s1 =	sadd.s32 @!p0 s12, s17;
	s18 =	sshrl.u32 @!p0 s14, $0x3;
	[sflag:s3] =	ssyncadd.s32 @p0 $0xFFFFFC00  }
0x67: {  	[hbm:s1], [sflag:s11] =	dma.local @!p0 [spmem:s18], $0x400  }
0x68: {  	_ =	swait.ge @!p0 [sflag:s9], $0x400  }
0x69: {  	[sflag:s9] =	ssyncset.done @!p0 $0x0;
	s16 =	rddreg [dreg:$0xb]  }
0x6a: {  	s18 =	rddreg [dreg:$0x10];
	[sflag:s9] =	ssyncadd.s32 @!p0 $0xFFFFFC00;
	s1 =	sadd.s32 s6, s16  }
0x6b: {  	[hbm:s1], [sflag:s15] =	dma.local [spmem:s18], $0x400  }
0x6c: {  	_ =	swait.ge [sflag:s0], $0x400  }
0x6d: {  	[sflag:s0] =	ssyncset.done $0x0  }
0x6e: {  	s1 =	sadd.s32 @p0 s7, s20;
	s18 =	sshrl.u32 @p0 s19, $0x3;
	[sflag:s0] =	ssyncadd.s32 $0xFFFFFC00  }
0x6f: {  	[hbm:s1], [sflag:s8] =	dma.local @p0 [spmem:s18], $0x400  }
0x70: {  	_ =	swait.ge @p0 [sflag:s3], $0x400  }
0x71: {  	[sflag:s3] =	ssyncset.done @p0 $0x0  }
0x72: {  	s1 =	sadd.s32 @!p0 s12, s20;
	s18 =	sshrl.u32 @!p0 s19, $0x3;
	[sflag:s3] =	ssyncadd.s32 @p0 $0xFFFFFC00  }
0x73: {  	[hbm:s1], [sflag:s11] =	dma.local @!p0 [spmem:s18], $0x400  }
0x74: {  	_ =	swait.ge @!p0 [sflag:s9], $0x400  }
0x75: {  	[sflag:s9] =	ssyncset.done @!p0 $0x0;
	s16 =	rddreg [dreg:$0xc]  }
0x76: {  	s18 =	rddreg [dreg:$0x11];
	[sflag:s9] =	ssyncadd.s32 @!p0 $0xFFFFFC00;
	s1 =	sadd.s32 s6, s16  }
0x77: {  	[hbm:s1], [sflag:s15] =	dma.local [spmem:s18], $0x400  }
0x78: {  	_ =	swait.ge [sflag:s0], $0x400  }
0x79: {  	[sflag:s0] =	ssyncset.done $0x0  }
0x7a: {  	s1 =	sadd.s32 @p0 s7, s23;
	s18 =	sshrl.u32 @p0 s22, $0x3;
	[sflag:s0] =	ssyncadd.s32 $0xFFFFFC00  }
0x7b: {  	[hbm:s1], [sflag:s8] =	dma.local @p0 [spmem:s18], $0x400  }
0x7c: {  	_ =	swait.ge @p0 [sflag:s3], $0x400  }
0x7d: {  	[sflag:s3] =	ssyncset.done @p0 $0x0  }
0x7e: {  	s1 =	sadd.s32 @!p0 s12, s23;
	[sflag:s3] =	ssyncadd.s32 @p0 $0xFFFFFC00;
	s3 =	sshrl.u32 @!p0 s22, $0x3  }
0x7f: {  	[hbm:s1], [sflag:s11] =	dma.local @!p0 [spmem:s3], $0x400  }
0x80: {  	_ =	swait.ge @!p0 [sflag:s9], $0x400  }
0x81: {  	[sflag:s9] =	ssyncset.done @!p0 $0x0;
	s14 =	rddreg [dreg:$0xd]  }
0x82: {  	s16 =	rddreg [dreg:$0x12];
	[sflag:s9] =	ssyncadd.s32 @!p0 $0xFFFFFC00;
	s1 =	sadd.s32 s6, s14  }
0x83: {  	[hbm:s1], [sflag:s15] =	dma.local [spmem:s16], $0x400  }
0x84: {  	_ =	swait.ge [sflag:s0], $0x400  }
0x85: {  	s31 =	sadd.s32 $0x1, s31;
	s18 =	rddreg [dreg:$0x5]  }
0x86: {  	p1 =	sne.s32 s31, s18  }
.Ltmp1:
0x87: {  	_ = 	snop;
	(pc) =	sbr.rel @!p1 .LBB2_11-.Ltmp1, $3  }
0x88: {  	_ =	sdelay $0x1  }
0x89: {  	[sflag:s0] =	ssyncset.done $0x0  }
0x8a: {  	[sflag:s0] =	ssyncadd.s32 $0xFFFFFC00  }
.LBB2_1:
0x8b: {  	s0 =	simm.s32 $0x0;
	s1 =	rddreg [dreg:$0x3]  }
0x8c: {  	[tilespmem:s0], [sflag:$0x1] =	stream.linear.gather [hbm4b:s1+s0], $0x2800, $0x38;
	[tilespmem:$0x1F800] =	vst v63  }
0x8d: {  	s18 =	rddreg [dreg:$0x4];
	s3 =	simm.s32 $0x2800  }
0x8e: {  	[tilespmem:s3], [sflag:$0x2] =	stream.linear.gather [hbm4b:s18+s0], $0x5000, $0x38;
	[tilespmem:$0x1F800] =	vst v63  }
0x8f: {  	s0 =	simm.s32 $0x0;
	s3 =	simm.s32 $0x200  }
.LBB2_2:
0x90: {  	p1 =	sne.s32 s3, $0x7E00;
	[tilespmem:s0+$0x7870] =	vst v0  }
0x91: {  	[tilespmem:s0+$0x7800] =	vst v0  }
0x92: {  	[tilespmem:s0+$0x7810] =	vst v0  }
.Ltmp2:
0x93: {  	[tilespmem:s0+$0x7820] =	vst v0;
	(pc) =	sbr.rel @p1 .LBB2_2-.Ltmp2, $4  }
0x94: {  	[tilespmem:s0+$0x7830] =	vst v0  }
0x95: {  	[tilespmem:s0+$0x7840] =	vst v0  }
0x96: {  	[tilespmem:s0+$0x7850] =	vst v0  }
0x97: {  	[tilespmem:s0+$0x7860] =	vst v0;
	s0 =	sshra.s32 s3, $0x2;
	s3 =	sadd.s32 $0x200, s3  }
0x98: {  	[tilespmem:s0+$0x7870] =	vst v0  }
0x99: {  	[tilespmem:s0+$0x7800] =	vst v0  }
0x9a: {  	[tilespmem:s0+$0x7810] =	vst v0  }
0x9b: {  	[tilespmem:s0+$0x7820] =	vst v0  }
0x9c: {  	[tilespmem:s0+$0x7830] =	vst v0  }
0x9d: {  	[tilespmem:s0+$0x7840] =	vst v0  }
0x9e: {  	[tilespmem:s0+$0x7850] =	vst v0  }
0x9f: {  	[tilespmem:s0+$0x7860] =	vst v0  }
0xa0: {  	[spmem:s10] =	stream.linear.scatter [tilespmem:s24], [sflag:$0x3], $0x2000, $0x38;
	[tilespmem:$0x1F800] =	vst v63  }
0xa1: {  	_ =	swait.ge [sflag:s25], $0x2000  }
0xa2: {  	[sflag:s25] =	ssyncset.done $0x0  }
0xa3: {  	s3 =	rddreg [dreg:$0x13];
	[sflag:s25] =	ssyncadd.s32 $0xFFFFE000  }
0xa4: {  	[spmem:s3] =	stream.linear.scatter [tilespmem:s24], [sflag:$0x3], $0x2000, $0x38;
	[tilespmem:$0x1F800] =	vst v63  }
0xa5: {  	_ =	swait.ge [sflag:s25], $0x2000  }
0xa6: {  	[sflag:s25] =	ssyncset.done $0x0  }
0xa7: {  	s6 =	rddreg [dreg:$0x14];
	[sflag:s25] =	ssyncadd.s32 $0xFFFFE000  }
0xa8: {  	[spmem:s6] =	stream.linear.scatter [tilespmem:s24], [sflag:$0x3], $0x2000, $0x38;
	[tilespmem:$0x1F800] =	vst v63  }
0xa9: {  	_ =	swait.ge [sflag:s25], $0x2000  }
0xaa: {  	[sflag:s25] =	ssyncset.done $0x0  }
0xab: {  	s8 =	rddreg [dreg:$0x15];
	[sflag:s25] =	ssyncadd.s32 $0xFFFFE000  }
0xac: {  	[spmem:s8] =	stream.linear.scatter [tilespmem:s24], [sflag:$0x3], $0x2000, $0x38;
	[tilespmem:$0x1F800] =	vst v63  }
0xad: {  	_ =	swait.ge [sflag:s25], $0x2000  }
0xae: {  	[sflag:s25] =	ssyncset.done $0x0  }
0xaf: {  	s9 =	rddreg [dreg:$0x16];
	[sflag:s25] =	ssyncadd.s32 $0xFFFFE000  }
0xb0: {  	[spmem:s9] =	stream.linear.scatter [tilespmem:s24], [sflag:$0x3], $0x2000, $0x38;
	[tilespmem:$0x1F800] =	vst v63  }
0xb1: {  	_ =	swait.ge [sflag:s25], $0x2000  }
0xb2: {  	[sflag:s25] =	ssyncset.done $0x0  }
0xb3: {  	s11 =	rddreg [dreg:$0x17];
	[sflag:s25] =	ssyncadd.s32 $0xFFFFE000  }
0xb4: {  	[spmem:s11] =	stream.linear.scatter [tilespmem:s24], [sflag:$0x3], $0x2000, $0x38;
	[tilespmem:$0x1F800] =	vst v63  }
0xb5: {  	_ =	swait.ge [sflag:s25], $0x2000  }
0xb6: {  	[sflag:s25] =	ssyncset.done $0x0  }
0xb7: {  	s14 =	rddreg [dreg:$0x18];
	[sflag:s25] =	ssyncadd.s32 $0xFFFFE000  }
0xb8: {  	[spmem:s14] =	stream.linear.scatter [tilespmem:s24], [sflag:$0x3], $0x2000, $0x38;
	[tilespmem:$0x1F800] =	vst v63  }
0xb9: {  	_ =	swait.ge [sflag:s25], $0x2000  }
0xba: {  	[sflag:s25] =	ssyncset.done $0x0  }
0xbb: {  	s15 =	rddreg [dreg:$0x19];
	[sflag:s25] =	ssyncadd.s32 $0xFFFFE000  }
0xbc: {  	[spmem:s15] =	stream.linear.scatter [tilespmem:s24], [sflag:$0x3], $0x2000, $0x38;
	[tilespmem:$0x1F800] =	vst v63  }
0xbd: {  	_ =	swait.ge [sflag:s25], $0x2000  }
0xbe: {  	[sflag:s25] =	ssyncset.done $0x0  }
0xbf: {  	s16 =	rddreg [dreg:$0x1a];
	[sflag:s25] =	ssyncadd.s32 $0xFFFFE000  }
0xc0: {  	[spmem:s16] =	stream.linear.scatter [tilespmem:s24], [sflag:$0x3], $0x2000, $0x38;
	[tilespmem:$0x1F800] =	vst v63  }
0xc1: {  	_ =	swait.ge [sflag:s25], $0x2000  }
0xc2: {  	[sflag:s25] =	ssyncset.done $0x0  }
0xc3: {  	s18 =	rddreg [dreg:$0x1b];
	[sflag:s25] =	ssyncadd.s32 $0xFFFFE000  }
0xc4: {  	[spmem:s18] =	stream.linear.scatter [tilespmem:s24], [sflag:$0x3], $0x2000, $0x38;
	[tilespmem:$0x1F800] =	vst v63  }
0xc5: {  	_ =	swait.ge [sflag:s25], $0x2000  }
0xc6: {  	[sflag:s25] =	ssyncset.done $0x0  }
0xc7: {  	[sflag:s25] =	ssyncadd.s32 $0xFFFFE000  }
0xc8: {  	_ =	swait.ge [sflag:s26], $0x2800  }
.Ltmp3:
0xc9: {  	[sflag:s26] =	ssyncset.done $0x0;
	(pc) =	sbr.rel @p0 .LBB2_7-.Ltmp3, $4  }
0xca: {  	[sflag:s26] =	ssyncadd.s32 $0xFFFFD800  }
0xcb: {  	_ =	swait.ge [sflag:s28], $0x5000  }
0xcc: {  	[sflag:s28] =	ssyncset.done $0x0  }
0xcd: {  	s0 =	simm.s32 $0x0;
	[sflag:s28] =	ssyncadd.s32 $0xFFFFB000  }
0xce: {  	[tilespmem:s24], [sflag:$0x1] =	stream.indirect.gather [hbm4b:s4+s29], $0x80, s0, s29, $0xb8;
	[tilespmem:$0x1F800] =	vst v63  }
0xcf: {  	s14 =	simm.s32 $0x40;
	[bflag:$0x0] =	sbarrier.arrive $0xFFFF  }
0xd0: {  	[tilespmem:s30], [sflag:$0x2] =	stream.indirect.gather [hbm4b:s4+s29], $0x80, s14, s29, $0xb8;
	[tilespmem:$0x1F800] =	vst v63  }
0xd1: {  	_ =	swait.ge [sflag:s26], $0x2000  }
0xd2: {  	[sflag:s26] =	ssyncset.done $0x0  }
0xd3: {  	s15 =	simm.s32 $0x2800;
	[sflag:s26] =	ssyncadd.s32 $0xFFFFE000  }
0xd4: {  	[spmem:s2] =	stream.indirect.scatter.add.f32 [tilespmem:s24], [sflag:$0x3], $0x80, s15, s29, $0xb8;
	[tilespmem:$0x1F800] =	vst v63  }
0xd5: {  	_ =	swait.ge [sflag:s25], $0x2000  }
0xd6: {  	[sflag:s25] =	ssyncset.done $0x0  }
0xd7: {  	s16 =	simm.s32 $0x80;
	[sflag:s25] =	ssyncadd.s32 $0xFFFFE000  }
0xd8: {  	[tilespmem:s24], [sflag:$0x1] =	stream.indirect.gather [hbm4b:s4+s29], $0x80, s16, s29, $0xb8;
	[tilespmem:$0x1F800] =	vst v63  }
0xd9: {  	_ =	swait.ge [sflag:s28], $0x2000  }
0xda: {  	[sflag:s28] =	ssyncset.done $0x0  }
0xdb: {  	s18 =	simm.s32 $0x2880;
	[sflag:s28] =	ssyncadd.s32 $0xFFFFE000  }
0xdc: {  	[spmem:s2] =	stream.indirect.scatter.add.f32 [tilespmem:s30], [sflag:$0x3], $0x80, s18, s29, $0xb8;
	[tilespmem:$0x1F800] =	vst v63  }
0xdd: {  	s3 =	simm.s32 $0x400;
	_ =	swait.ge [sflag:s25], $0x2000  }
0xde: {  	s6 =	simm.s32 $0x800;
	s0 =	simm.s32 $0x100;
	[sflag:s25] =	ssyncset.done $0x0  }
.LBB2_5:
0xdf: {  	p1 =	seq.s32 s6, $0x13800;
	s8 =	sadd.s32 $0xFFFFFFC0, s0;
	[sflag:s25] =	ssyncadd.s32 $0xFFFFE000  }
0xe0: {  	[tilespmem:s30], [sflag:$0x2] =	stream.indirect.gather [hbm4b:s4+s29], $0x80, s8, s29, $0xb8;
	[tilespmem:$0x1F800] =	vst v63  }
0xe1: {  	s8 =	smov.u32 s6;
	s6 =	sadd.s32 $0x400, s6;
	_ =	swait.ge [sflag:s26], $0x2000  }
0xe2: {  	s9 =	sshra.s32 s3, $0x2;
	s3 =	smov.u32 s8;
	[sflag:s26] =	ssyncset.done $0x0  }
0xe3: {  	s8 =	sadd.s32 $0x2800, s9;
	[sflag:s26] =	ssyncadd.s32 $0xFFFFE000  }
0xe4: {  	[spmem:s2] =	stream.indirect.scatter.add.f32 [tilespmem:s24], [sflag:$0x3], $0x80, s8, s29, $0xb8;
	[tilespmem:$0x1F800] =	vst v63  }
0xe5: {  	_ =	swait.ge [sflag:s25], $0x2000  }
0xe6: {  	[sflag:s25] =	ssyncset.done $0x0  }
0xe7: {  	[sflag:s25] =	ssyncadd.s32 $0xFFFFE000  }
0xe8: {  	[tilespmem:s24], [sflag:$0x1] =	stream.indirect.gather [hbm4b:s4+s29], $0x80, s0, s29, $0xb8;
	[tilespmem:$0x1F800] =	vst v63  }
0xe9: {  	_ =	swait.ge [sflag:s28], $0x2000  }
.Ltmp4:
0xea: {  	[sflag:s28] =	ssyncset.done $0x0;
	(pc) =	sbr.rel @!p1 .LBB2_5-.Ltmp4, $4  }
0xeb: {  	s8 =	sadd.s32 $0x2880, s9;
	[sflag:s28] =	ssyncadd.s32 $0xFFFFE000  }
0xec: {  	[spmem:s2] =	stream.indirect.scatter.add.f32 [tilespmem:s30], [sflag:$0x3], $0x80, s8, s29, $0xb8;
	[tilespmem:$0x1F800] =	vst v63  }
0xed: {  	_ =	swait.ge [sflag:s25], $0x2000  }
0xee: {  	s0 =	sadd.s32 $0x80, s0;
	[sflag:s25] =	ssyncset.done $0x0  }
0xef: {  	s6 =	sadd.s32 $0xFFFFFFC0, s0;
	[sflag:s25] =	ssyncadd.s32 $0xFFFFE000  }
0xf0: {  	[tilespmem:s30], [sflag:$0x2] =	stream.indirect.gather [hbm4b:s4+s29], $0x80, s6, s29, $0xb8;
	[tilespmem:$0x1F800] =	vst v63  }
0xf1: {  	_ =	swait.ge [sflag:s26], $0x2000  }
0xf2: {  	s3 =	sshra.s32 s3, $0x2;
	[sflag:s26] =	ssyncset.done $0x0  }
0xf3: {  	s15 =	sadd.s32 $0x2800, s3;
	[sflag:s26] =	ssyncadd.s32 $0xFFFFE000  }
0xf4: {  	[spmem:s2] =	stream.indirect.scatter.add.f32 [tilespmem:s24], [sflag:$0x3], $0x80, s15, s29, $0xb8;
	[tilespmem:$0x1F800] =	vst v63  }
0xf5: {  	_ =	swait.ge [sflag:s25], $0x2000  }
0xf6: {  	[sflag:s25] =	ssyncset.done $0x0  }
0xf7: {  	[sflag:s25] =	ssyncadd.s32 $0xFFFFE000  }
0xf8: {  	[tilespmem:s24], [sflag:$0x1] =	stream.indirect.gather [hbm4b:s4+s29], $0x80, s0, s29, $0xb8;
	[tilespmem:$0x1F800] =	vst v63  }
0xf9: {  	_ =	swait.ge [sflag:s28], $0x2000  }
0xfa: {  	[sflag:s28] =	ssyncset.done $0x0  }
0xfb: {  	s16 =	sadd.s32 $0x2880, s3;
	[sflag:s28] =	ssyncadd.s32 $0xFFFFE000  }
0xfc: {  	[spmem:s2] =	stream.indirect.scatter.add.f32 [tilespmem:s30], [sflag:$0x3], $0x80, s16, s29, $0xb8;
	[tilespmem:$0x1F800] =	vst v63  }
.Ltmp5:
0xfd: {  	_ = 	snop;
	(pc) =	sbr.rel .LBB2_10-.Ltmp5, $4  }
0xfe: {  	_ =	swait.ge [sflag:s25], $0x2000  }
0xff: {  	[sflag:s25] =	ssyncset.done $0x0  }
0x100: {  	s18 =	simm.s32 $0x27C0;
	[sflag:s25] =	ssyncadd.s32 $0xFFFFE000  }
0x101: {  	[tilespmem:s30], [sflag:$0x2] =	stream.indirect.gather [hbm4b:s4+s29], $0x80, s18, s29, $0xb8;
	[tilespmem:$0x1F800] =	vst v63  }
.LBB2_7:
0x102: {  	[tilespmem:s24], [sflag:$0x1] =	stream.indirect.gather [hbm4b:s5+s29], $0x80, s0, s29, $0xb8;
	[tilespmem:$0x1F800] =	vst v63  }
0x103: {  	s14 =	simm.s32 $0x40;
	[bflag:$0x0] =	sbarrier.arrive $0xFFFF  }
0x104: {  	[tilespmem:s30], [sflag:$0x2] =	stream.indirect.gather [hbm4b:s5+s29], $0x80, s14, s29, $0xb8;
	[tilespmem:$0x1F800] =	vst v63  }
0x105: {  	_ =	swait.ge [sflag:s26], $0x2000  }
0x106: {  	[sflag:s26] =	ssyncset.done $0x0  }
0x107: {  	s15 =	simm.s32 $0x2800;
	[sflag:s26] =	ssyncadd.s32 $0xFFFFE000  }
0x108: {  	[spmem:s2] =	stream.indirect.scatter.add.f32 [tilespmem:s24], [sflag:$0x3], $0x80, s15, s29, $0xb8;
	[tilespmem:$0x1F800] =	vst v63  }
0x109: {  	_ =	swait.ge [sflag:s25], $0x2000  }
0x10a: {  	[sflag:s25] =	ssyncset.done $0x0  }
0x10b: {  	s16 =	simm.s32 $0x80;
	[sflag:s25] =	ssyncadd.s32 $0xFFFFE000  }
0x10c: {  	[tilespmem:s24], [sflag:$0x1] =	stream.indirect.gather [hbm4b:s5+s29], $0x80, s16, s29, $0xb8;
	[tilespmem:$0x1F800] =	vst v63  }
0x10d: {  	_ =	swait.ge [sflag:s28], $0x2000  }
0x10e: {  	[sflag:s28] =	ssyncset.done $0x0  }
0x10f: {  	s18 =	simm.s32 $0x2880;
	[sflag:s28] =	ssyncadd.s32 $0xFFFFE000  }
0x110: {  	[spmem:s2] =	stream.indirect.scatter.add.f32 [tilespmem:s30], [sflag:$0x3], $0x80, s18, s29, $0xb8;
	[tilespmem:$0x1F800] =	vst v63  }
0x111: {  	s3 =	simm.s32 $0x400;
	_ =	swait.ge [sflag:s25], $0x2000  }
0x112: {  	s6 =	simm.s32 $0x800;
	s0 =	simm.s32 $0x100;
	[sflag:s25] =	ssyncset.done $0x0  }
.LBB2_8:
0x113: {  	p1 =	seq.s32 s6, $0x13800;
	s8 =	sadd.s32 $0xFFFFFFC0, s0;
	[sflag:s25] =	ssyncadd.s32 $0xFFFFE000  }
0x114: {  	[tilespmem:s30], [sflag:$0x2] =	stream.indirect.gather [hbm4b:s5+s29], $0x80, s8, s29, $0xb8;
	[tilespmem:$0x1F800] =	vst v63  }
0x115: {  	s8 =	smov.u32 s6;
	s6 =	sadd.s32 $0x400, s6;
	_ =	swait.ge [sflag:s26], $0x2000  }
0x116: {  	s9 =	sshra.s32 s3, $0x2;
	s3 =	smov.u32 s8;
	[sflag:s26] =	ssyncset.done $0x0  }
0x117: {  	s8 =	sadd.s32 $0x2800, s9;
	[sflag:s26] =	ssyncadd.s32 $0xFFFFE000  }
0x118: {  	[spmem:s2] =	stream.indirect.scatter.add.f32 [tilespmem:s24], [sflag:$0x3], $0x80, s8, s29, $0xb8;
	[tilespmem:$0x1F800] =	vst v63  }
0x119: {  	_ =	swait.ge [sflag:s25], $0x2000  }
0x11a: {  	[sflag:s25] =	ssyncset.done $0x0  }
0x11b: {  	[sflag:s25] =	ssyncadd.s32 $0xFFFFE000  }
0x11c: {  	[tilespmem:s24], [sflag:$0x1] =	stream.indirect.gather [hbm4b:s5+s29], $0x80, s0, s29, $0xb8;
	[tilespmem:$0x1F800] =	vst v63  }
0x11d: {  	_ =	swait.ge [sflag:s28], $0x2000  }
.Ltmp6:
0x11e: {  	[sflag:s28] =	ssyncset.done $0x0;
	(pc) =	sbr.rel @!p1 .LBB2_8-.Ltmp6, $4  }
0x11f: {  	s8 =	sadd.s32 $0x2880, s9;
	[sflag:s28] =	ssyncadd.s32 $0xFFFFE000  }
0x120: {  	[spmem:s2] =	stream.indirect.scatter.add.f32 [tilespmem:s30], [sflag:$0x3], $0x80, s8, s29, $0xb8;
	[tilespmem:$0x1F800] =	vst v63  }
0x121: {  	_ =	swait.ge [sflag:s25], $0x2000  }
0x122: {  	s0 =	sadd.s32 $0x80, s0;
	[sflag:s25] =	ssyncset.done $0x0  }
.Ltmp7:
0x123: {  	_ = 	snop;
	(pc) =	sbr.rel .LBB2_9-.Ltmp7, $1  }
0x124: {  	_ =	sdelay $0x3  }
.LBB2_11:
0x125: {  	_ =	sfence.sel $0x180000  }
0x126: {  	[bflag:$0x0] =	sbarrier.arrive $0xFFFF  }
0x127: {  	_ =	strace $0x9000004A  }
0x128: {  	[bflag:$0x2] =	sbarrier.arrive $0xFFFF  }
0x129: {  	p0 =	sne.s32 s13, $0x0;
	s0 =	rddreg [dreg:$0x2]  }
0x12a: {  	s0 =	sadd.s32 @!p0 $0x100000, s0  }
0x12b: {  	[sflag:s0] =	ssyncadd.tile.s32 @!p0 $0x1;
	_ =	shalt  }
.Lfunc_end2:
_tile_overlayer_lowered:
.L_overlay_start_2:
0x12c: {  	(tag) =	ssettag $0x2  }
0x12d: {  	s0 =	rddreg [dreg:$0x0];
	s2 =	stileid.u32  }
0x12e: {  	s1 =	rddreg [dreg:$0x1];
	p0 =	sne.s32 s2, $0x0  }
0x12f: {  	s3 =	rddreg [dreg:$0x2];
	[bflag:$0x3] =	sbarrier.arrive $0xFFFF;
	s2 =	simm.s32 @!p0 $0x1C03  }
0x130: {  	[timem:s3], [sflag:s2] =	dma.local @!p0 [hbm:s0], s1  }
0x131: {  	s0 =	simm.s32 @!p0 $0x3  }
0x132: {  	_ =	swait.ge @!p0 [sflag:s0], s1  }
0x133: {  	s1 =	ssub.s32 @!p0 $0x0, s1;
	[sflag:s0] =	ssyncset.done @!p0 $0x0  }
0x134: {  	[sflag:s0] =	ssyncadd.s32 @!p0 s1  }
0x135: {  	[bflag:$0x3] =	sbarrier.arrive $0xFFFF  }
0x136: {  	_ =	shalt  }

</sc_bundles>
